<compile_context>
chip_gen: v7x
topology: tpu7x:2x2x1
jax: 0.10.2.dev20260603
libtpu: 0.0.44.dev20260713+nightly
codegen_flags: <defaults>
</compile_context>

<pallas_src>
import functools

import jax
import jax.numpy as jnp
from jax import lax
from jax.experimental import pallas as pl
from jax.experimental.pallas import tpu as pltpu, tpu_sc as plsc


_BM_CANDIDATES = (512, 448, 392, 256, 196, 128, 112, 64, 56, 16, 8)


def _pick_bm(m):
    for bm in _BM_CANDIDATES:
        if m % bm == 0:
            return bm
    return m


def _mm_body(a_ref, b_ref, bias_ref, o_ref):
    o_ref[0] = (
        jnp.dot(a_ref[0], b_ref[0], preferred_element_type=jnp.float32)
        + bias_ref[0]
    )


def _mm(a, b, bias=None):
    g, m, k = a.shape
    n = b.shape[2]
    if bias is None:
        bias = jnp.zeros((g, 1, n), jnp.float32)
    bm = _pick_bm(m)
    return pl.pallas_call(
        _mm_body,
        grid=(g, m // bm),
        in_specs=[
            pl.BlockSpec((1, bm, k), lambda gi, mi: (gi, mi, 0)),
            pl.BlockSpec((1, k, n), lambda gi, mi: (gi, 0, 0)),
            pl.BlockSpec((1, 1, n), lambda gi, mi: (gi, 0, 0)),
        ],
        out_specs=pl.BlockSpec((1, bm, n), lambda gi, mi: (gi, mi, 0)),
        out_shape=jax.ShapeDtypeStruct((g, m, n), jnp.float32),
    )(a, b, bias)


def _attn_body(scale, hd, q_ref, kv_ref, o_ref, cs_ref):
    rb = pl.program_id(1)
    q = q_ref[0][:, :hd]
    k = kv_ref[0][:, hd:2 * hd]
    v = kv_ref[0][:, 2 * hd:]
    s = lax.dot_general(
        q, k, (((1,), (1,)), ((), ())),
        preferred_element_type=jnp.float32,
    ) * scale
    mx = jnp.max(s, axis=1, keepdims=True)
    p = jnp.exp(s - mx)
    l = jnp.sum(p, axis=1, keepdims=True)
    pn = p / l
    o_ref[0] = jnp.dot(pn, v, preferred_element_type=jnp.float32)
    col = jnp.sum(pn, axis=0, keepdims=True)

    @pl.when(rb == 0)
    def _init():
        cs_ref[0] = col

    @pl.when(rb > 0)
    def _acc():
        cs_ref[0] = cs_ref[0] + col


def _attn(qkv, scale, hd):
    h, n, _ = qkv.shape
    bm = _pick_bm(n)
    return pl.pallas_call(
        functools.partial(_attn_body, scale, hd),
        grid=(h, n // bm),
        in_specs=[
            pl.BlockSpec((1, bm, 3 * hd), lambda hi, mi: (hi, mi, 0)),
            pl.BlockSpec((1, n, 3 * hd), lambda hi, mi: (hi, 0, 0)),
        ],
        out_specs=[
            pl.BlockSpec((1, bm, hd), lambda hi, mi: (hi, mi, 0)),
            pl.BlockSpec((1, 1, n), lambda hi, mi: (hi, 0, 0)),
        ],
        out_shape=[
            jax.ShapeDtypeStruct((h, n, hd), jnp.float32),
            jax.ShapeDtypeStruct((h, 1, n), jnp.float32),
        ],
    )(qkv, qkv)


def _rank_body(kf, chunk, cs_row_ref, cs_col_ref, inv_ref, rnk_ref):
    hi = pl.program_id(0)
    n = cs_row_ref.shape[2]
    vr = cs_row_ref[0]
    iota_i = lax.broadcasted_iota(jnp.int32, (chunk, n), 1)
    iota_j = lax.broadcasted_iota(jnp.int32, (chunk, n), 0)
    iota_r = lax.broadcasted_iota(jnp.int32, (chunk, kf), 1)
    iota_jk = lax.broadcasted_iota(jnp.int32, (chunk, kf), 0)

    def body(c, _):
        vj = cs_col_ref[0, pl.ds(c * chunk, chunk), :]
        jglob = c * chunk + iota_j
        beat = (vr > vj) | ((vr == vj) & (iota_i < jglob))
        rank = jnp.sum(beat.astype(jnp.int32), axis=1, keepdims=True)
        contrib = jnp.where(rank == iota_r, c * chunk + iota_jk, 0)
        part = jnp.sum(contrib, axis=0, keepdims=True)

        @pl.when(c == 0)
        def _init():
            inv_ref[0] = part

        @pl.when(c > 0)
        def _acc():
            inv_ref[0] = inv_ref[0] + part

        rnk_ref[0, pl.ds(c * chunk, chunk), :] = rank
        return 0

    lax.fori_loop(0, n // chunk, body, 0)
    inv_ref[0] = inv_ref[0] + hi * n


def _rank(cs, kf):
    h, _, n = cs.shape
    cs_col = jnp.transpose(cs, (0, 2, 1))
    chunk = _pick_bm(n)
    return pl.pallas_call(
        functools.partial(_rank_body, kf, chunk),
        grid=(h,),
        in_specs=[
            pl.BlockSpec((1, 1, n), lambda hi: (hi, 0, 0)),
            pl.BlockSpec((1, n, 1), lambda hi: (hi, 0, 0)),
        ],
        out_specs=[
            pl.BlockSpec((1, 1, kf), lambda hi: (hi, 0, 0)),
            pl.BlockSpec((1, n, 1), lambda hi: (hi, 0, 0)),
        ],
        out_shape=[
            jax.ShapeDtypeStruct((h, 1, kf), jnp.int32),
            jax.ShapeDtypeStruct((h, n, 1), jnp.int32),
        ],
    )(cs, cs_col)


def _downqkv_body(nh, hd, p_ref, w9_ref, bd_ref, wq_ref, bq_ref, o_ref):
    hh = p_ref.shape[0] - 2
    d = bd_ref.shape[1]
    acc = jnp.broadcast_to(bd_ref[0], (hh * hh, d))
    for da in range(3):
        for db in range(3):
            v = p_ref[da:da + hh, db:db + hh, :].reshape(hh * hh, 4 * d)
            acc = acc + jnp.dot(
                v, w9_ref[3 * da + db], preferred_element_type=jnp.float32
            )
    for h in range(nh):
        o_ref[h] = (
            jnp.dot(
                acc[:, h * hd:(h + 1) * hd], wq_ref[0],
                preferred_element_type=jnp.float32,
            )
            + bq_ref[0]
        )


def _downqkv(p_pad, w9, b_down, wq, bq, nh, hd):
    hp, _, dc = p_pad.shape
    hh = hp - 2
    n = hh * hh
    dim = dc // 4
    return pl.pallas_call(
        functools.partial(_downqkv_body, nh, hd),
        grid=(1,),
        in_specs=[
            pl.BlockSpec((hp, hp, dc), lambda i: (0, 0, 0)),
            pl.BlockSpec((9, dc, dim), lambda i: (0, 0, 0)),
            pl.BlockSpec((1, dim), lambda i: (0, 0)),
            pl.BlockSpec((1, hd, 3 * hd), lambda i: (0, 0, 0)),
            pl.BlockSpec((1, 3 * hd), lambda i: (0, 0)),
        ],
        out_specs=pl.BlockSpec((nh, n, 3 * hd), lambda i: (0, 0, 0)),
        out_shape=jax.ShapeDtypeStruct((nh, n, 3 * hd), jnp.float32),
    )(p_pad, w9, b_down.reshape(1, dim), wq, bq)


_UP_TAPS = {0: ((0, -1), (2, 0)), 1: ((1, 0), (3, 1))}
_UP_CLASSES = [(0, 0), (0, 1), (1, 0), (1, 1)]


def _upconv_body(p_ref, w_ref, b_ref, o_ref):
    hh = p_ref.shape[0] - 2
    d = b_ref.shape[1]
    for cls, (pa, pb) in enumerate(_UP_CLASSES):
        acc = jnp.broadcast_to(b_ref[0], (hh * hh, d))
        t = 0
        for (ki, da) in _UP_TAPS[pa]:
            for (kj, db) in _UP_TAPS[pb]:
                v = p_ref[1 + da:1 + da + hh, 1 + db:1 + db + hh, :]
                acc = acc + jnp.dot(
                    v.reshape(hh * hh, d), w_ref[4 * cls + t],
                    preferred_element_type=jnp.float32,
                )
                t += 1
        o_ref[cls] = acc


def _upconv(op_pad, w16, b_up):
    hp, _, dim = op_pad.shape
    hh = hp - 2
    n = hh * hh
    return pl.pallas_call(
        _upconv_body,
        grid=(1,),
        in_specs=[
            pl.BlockSpec((hp, hp, dim), lambda i: (0, 0, 0)),
            pl.BlockSpec((16, dim, dim), lambda i: (0, 0, 0)),
            pl.BlockSpec((1, dim), lambda i: (0, 0)),
        ],
        out_specs=pl.BlockSpec((4, n, dim), lambda i: (0, 0, 0)),
        out_shape=jax.ShapeDtypeStruct((4, n, dim), jnp.float32),
    )(op_pad, w16, b_up.reshape(1, dim))


def _scat_body(rnk_ref, d_ref, o_ref):
    kf = d_ref.shape[1]
    bm = rnk_ref.shape[1]
    r_col = rnk_ref[0]
    iota_r = lax.broadcasted_iota(jnp.int32, (bm, kf), 1)
    oh = jnp.where(r_col == iota_r, 1.0, 0.0)
    o_ref[0] = jnp.dot(oh, d_ref[0], preferred_element_type=jnp.float32)


def _scatter(rnk, delta):
    h, n, _ = rnk.shape
    kf, d = delta.shape[1:]
    bm = _pick_bm(n)
    return pl.pallas_call(
        _scat_body,
        grid=(h, n // bm),
        in_specs=[
            pl.BlockSpec((1, bm, 1), lambda hi, mi: (hi, mi, 0)),
            pl.BlockSpec((1, kf, d), lambda hi, mi: (hi, 0, 0)),
        ],
        out_specs=pl.BlockSpec((1, bm, d), lambda hi, mi: (hi, mi, 0)),
        out_shape=jax.ShapeDtypeStruct((h, n, d), jnp.float32),
    )(rnk, delta)


_SC_NW = 32


_SC_CHUNK = 64


def _sc_gather(table, idx):
    t, d = table.shape
    b = idx.shape[0]
    nchunks = b // _SC_CHUNK
    iters = -(-nchunks // _SC_NW)
    mesh = plsc.VectorSubcoreMesh(core_axis_name="c", subcore_axis_name="s")

    @functools.partial(
        pl.kernel,
        mesh=mesh,
        out_type=jax.ShapeDtypeStruct((b, d), jnp.float32),
        scratch_types=(
            [pltpu.VMEM((_SC_CHUNK,), jnp.int32) for _ in range(iters)]
            + [pltpu.VMEM((_SC_CHUNK, d), jnp.float32) for _ in range(iters)]
            + [pltpu.SemaphoreType.DMA] * 3
        ),
    )
    def k(table_hbm, idx_hbm, out_hbm, *refs):
        idx_bufs = refs[:iters]
        row_bufs = refs[iters:2 * iters]
        sem_i, sem_g, sem_o = refs[2 * iters:]
        wid = lax.axis_index("s") * 2 + lax.axis_index("c")

        def each(phase):
            for it in range(iters):
                cid = wid + _SC_NW * it

                @pl.when(cid < nchunks)
                def _():
                    phase(it, cid * _SC_CHUNK)

        each(lambda it, base: pltpu.async_copy(
            idx_hbm.at[pl.ds(base, _SC_CHUNK)], idx_bufs[it], sem_i))
        each(lambda it, base: pltpu.make_async_copy(
            idx_hbm.at[pl.ds(base, _SC_CHUNK)], idx_bufs[it], sem_i).wait())
        each(lambda it, base: pltpu.async_copy(
            table_hbm.at[idx_bufs[it]], row_bufs[it], sem_g))
        each(lambda it, base: pltpu.make_async_copy(
            table_hbm.at[idx_bufs[it]], row_bufs[it], sem_g).wait())
        each(lambda it, base: pltpu.async_copy(
            row_bufs[it], out_hbm.at[pl.ds(base, _SC_CHUNK)], sem_o))
        each(lambda it, base: pltpu.make_async_copy(
            row_bufs[it], out_hbm.at[pl.ds(base, _SC_CHUNK)], sem_o).wait())

    return k(table, idx)


def kernel(x, W_embed, b_embed, W_down, b_down, W_up, b_up, W_qkv_c, b_qkv_c, W_qkv_t, b_qkv_t):
    hd = 64
    scale = hd ** (-0.5)
    dim = W_embed.shape[0]
    nh = dim // hd
    H2 = x.shape[2] // 2
    h = H2 // 2
    n = h * h
    n2 = H2 * H2
    kf = max(1, n // 4)

    xp = (
        x[0]
        .reshape(3, H2, 2, H2, 2)
        .transpose(1, 3, 0, 2, 4)
        .reshape(n2, 12)
    )
    we = W_embed.reshape(dim, 12).T
    xe_tok = _mm(xp[None], we[None], b_embed.reshape(1, 1, dim))[0]
    xe_img = xe_tok.reshape(H2, H2, dim)

    p_img = (
        xe_img.reshape(h, 2, h, 2, dim)
        .transpose(0, 2, 1, 3, 4)
        .reshape(h, h, 4 * dim)
    )
    p_pad = jnp.pad(p_img, ((1, 1), (1, 1), (0, 0)))
    wdp = jnp.pad(W_down, ((0, 0), (0, 0), (1, 1), (1, 1)))
    ki = 2 * jnp.arange(3)[:, None] + jnp.arange(2)[None, :]
    w9 = (
        wdp[:, :, ki][:, :, :, :, ki]
        .transpose(2, 4, 3, 5, 1, 0)
        .reshape(9, 4 * dim, dim)
    )
    qkv = _downqkv(
        p_pad, w9, b_down, W_qkv_c.T[None], b_qkv_c.reshape(1, 3 * hd), nh, hd
    )
    out1, cs = _attn(qkv, scale, hd)

    out_img = out1.transpose(1, 0, 2).reshape(h, h, dim)
    op = jnp.pad(out_img, ((1, 1), (1, 1), (0, 0)))
    w16 = jnp.stack(
        [
            W_up[:, :, 3 - ki, 3 - kj]
            for pa, pb in _UP_CLASSES
            for (ki, da) in _UP_TAPS[pa]
            for (kj, db) in _UP_TAPS[pb]
        ]
    )
    y_cls = _upconv(op, w16, b_up)
    coarse_img = (
        y_cls.reshape(2, 2, h, h, dim)
        .transpose(2, 0, 3, 1, 4)
        .reshape(H2, H2, dim)
    )

    patches = (
        p_img.reshape(n, 2, 2, nh, hd)
        .transpose(3, 0, 1, 2, 4)
        .reshape(nh * n, 4 * hd)
    )
    inv, rnk = _rank(cs, kf)
    nsel = nh * kf
    nsel_pad = -(-nsel // _SC_CHUNK) * _SC_CHUNK
    inv_flat = jnp.pad(inv.reshape(nsel), (0, nsel_pad - nsel))
    sel = _sc_gather(patches, inv_flat)[:nsel]
    tok2 = sel.reshape(nh, kf * 4, hd)
    wqt = jnp.broadcast_to(W_qkv_t.T[None], (nh, hd, 3 * hd))
    bqt = jnp.broadcast_to(b_qkv_t.reshape(1, 1, 3 * hd), (nh, 1, 3 * hd))
    qkv2 = _mm(tok2, wqt, bqt)
    out2, _ = _attn(qkv2, scale, hd)
    delta = (out2 - tok2).reshape(nh, kf, 4 * hd)
    scat = _scatter(rnk, delta)
    scat_img = (
        scat.reshape(nh, h, h, 2, 2, hd)
        .transpose(1, 3, 2, 4, 0, 5)
        .reshape(H2, H2, dim)
    )

    final = 2.0 * xe_img + coarse_img + scat_img
    return jnp.transpose(final, (2, 0, 1))[None]

# --- scband reference (transcript-rebuilt; emitter-appended) ---
"""Pipeline reference for scband-laamodel-71090298683458 (READ-ONLY COPY).

The authoritative reference and input builder live on the scoring server;
editing this copy changes nothing except your own understanding.
"""

import jax, jax.numpy as jnp
import numpy as np

DN = ('NCHW', 'OIHW', 'NCHW')


def _conv(x, w, stride, pad):
    return jax.lax.conv_general_dilated(x, w, window_strides=stride, padding=pad, dimension_numbers=DN)


def _conv_transpose(x, w):
    # torch ConvTranspose2d(k=4, s=2, p=1) with weight layout [in, out, kh, kw]
    wt = jnp.transpose(jnp.flip(w, axis=(2, 3)), (1, 0, 2, 3))
    return jax.lax.conv_general_dilated(x, wt, window_strides=(1, 1), padding=((2, 2), (2, 2)), lhs_dilation=(2, 2), dimension_numbers=DN)


def setup_inputs(seed: int = 0):
    key = jax.random.key(seed)
    ks = jax.random.split(key, 8)
    B, Cin, Hin, Win = 1, 3, 224, 224
    dim, hd = 128, 64
    x = jax.random.normal(ks[0], (B, Cin, Hin, Win), dtype=jnp.float32)
    W_embed = jax.random.normal(ks[1], (dim, Cin, 2, 2), dtype=jnp.float32) * 0.05
    b_embed = jnp.zeros((dim,), dtype=jnp.float32)
    W_down = jax.random.normal(ks[2], (dim, dim, 4, 4), dtype=jnp.float32) * 0.05
    b_down = jnp.zeros((dim,), dtype=jnp.float32)
    W_up = jax.random.normal(ks[3], (dim, dim, 4, 4), dtype=jnp.float32) * 0.05
    b_up = jnp.zeros((dim,), dtype=jnp.float32)
    W_qkv_c = jax.random.normal(ks[4], (3 * hd, hd), dtype=jnp.float32) * 0.05
    b_qkv_c = jnp.zeros((3 * hd,), dtype=jnp.float32)
    W_qkv_t = jax.random.normal(ks[5], (3 * hd, hd), dtype=jnp.float32) * 0.05
    b_qkv_t = jnp.zeros((3 * hd,), dtype=jnp.float32)
    return {'x': x, 'W_embed': W_embed, 'b_embed': b_embed, 'W_down': W_down, 'b_down': b_down, 'W_up': W_up, 'b_up': b_up, 'W_qkv_c': W_qkv_c, 'b_qkv_c': b_qkv_c, 'W_qkv_t': W_qkv_t, 'b_qkv_t': b_qkv_t}


def reference(x, W_embed, b_embed, W_down, b_down, W_up, b_up, W_qkv_c, b_qkv_c, W_qkv_t, b_qkv_t):
    hd = 64
    scale = hd ** (-0.5)
    # patch embedding (Embedding module, patch_size=2)
    xe = _conv(x, W_embed, (2, 2), 'VALID') + b_embed[None, :, None, None]
    # ---- CoarseSelfAttention: downsample -> MHSA -> upsample ----
    xd = _conv(xe, W_down, (2, 2), ((1, 1), (1, 1))) + b_down[None, :, None, None]
    B, C, h, w = xd.shape
    nh = C // hd
    N = h * w
    tokens = jnp.transpose(xd.reshape(B, nh, hd, N), (0, 1, 3, 2))
    qkv = tokens @ W_qkv_c.T + b_qkv_c
    q, k, v = jnp.split(qkv, 3, axis=-1)
    attn = jax.nn.softmax((q @ jnp.swapaxes(k, -2, -1)) * scale, axis=-1)
    coarse_score = attn.sum(axis=-2)
    kf = max(1, N // 4)
    _, top_k = jax.lax.top_k(coarse_score, kf)  # [B, nh, kf]
    out = attn @ v
    out_img = jnp.transpose(out, (0, 1, 3, 2)).reshape(B, C, h, w)
    coarse_out = _conv_transpose(out_img, W_up) + b_up[None, :, None, None]
    # F.interpolate to xe spatial size is identity here (sizes match)
    # ---- TopkSelfAttention: gather top-k 2x2 patches, local MHSA, scatter back ----
    H2, W2 = xe.shape[2], xe.shape[3]
    ps = 2
    ph, pw = H2 // ps, W2 // ps
    xh = xe.reshape(B, nh, hd, ph, ps, pw, ps)
    patches = jnp.transpose(xh, (0, 1, 3, 5, 4, 6, 2)).reshape(B, nh, ph * pw, ps * ps, hd)
    sel = jnp.take_along_axis(patches, top_k[:, :, :, None, None], axis=2)
    tok = sel.reshape(B, nh, kf * ps * ps, hd)
    qkv2 = tok @ W_qkv_t.T + b_qkv_t
    q2, k2, v2 = jnp.split(qkv2, 3, axis=-1)
    attn2 = jax.nn.softmax((q2 @ jnp.swapaxes(k2, -2, -1)) * scale, axis=-1)
    o2 = (attn2 @ v2).reshape(B, nh, kf, ps * ps, hd)
    Np = ph * pw

    def _scatter(p, i, u):
        return p.at[i].set(u)

    scat = jax.vmap(_scatter)(patches.reshape(B * nh, Np, ps * ps, hd), top_k.reshape(B * nh, kf), o2.reshape(B * nh, kf, ps * ps, hd))
    scat = scat.reshape(B, nh, ph, pw, ps, ps, hd)
    x_topk = jnp.transpose(scat, (0, 1, 6, 2, 4, 3, 5)).reshape(B, C, H2, W2)
    return xe + coarse_out + x_topk

if __name__ == "__main__":
    import jax
    _d = setup_inputs()
    print(jax.jit(kernel)(*tuple(_d.values())))

</pallas_src>

<mosaic_0001>
#map = affine_map<(d0, d1) -> (0, 0)>
#map1 = affine_map<(d0, d1) -> (0)>
module attributes {stable_mosaic.version = 14 : i64} {
  func.func @k(%arg0: i32, %arg1: i32, %arg2: memref<6272x256xf32, #tpu.memory_space<hbm>>, %arg3: memref<1600xi32, #tpu.memory_space<hbm>>, %arg4: memref<1600x256xf32, #tpu.memory_space<hbm>>, %arg5: memref<64xi32, #tpu.memory_space<vmem>>, %arg6: memref<64x256xf32, #tpu.memory_space<vmem>>, %arg7: memref<!tpu.dma_semaphore, #tpu.memory_space<semaphore_mem>>, %arg8: memref<!tpu.dma_semaphore, #tpu.memory_space<semaphore_mem>>, %arg9: memref<!tpu.dma_semaphore, #tpu.memory_space<semaphore_mem>>) attributes {dimension_semantics = [#tpu.dimension_semantics<core_parallel>, #tpu.dimension_semantics<subcore_parallel>], iteration_bounds = array<i64: 2, 16>, scalar_prefetch = 0 : i64, scratch_operands = 5 : i64, tpu.core_type = #tpu.core_type<sc_vector_subcore>, window_params = [{transform_indices = #map}, {transform_indices = #map1}, {transform_indices = #map}]} {
    %mul3A = arith.constant 2 : i32
    %mul3A_0 = arith.muli %arg1, %mul3A : i32
    %add3A = arith.addi %mul3A_0, %arg0 : i32
    %add3A_1 = arith.constant 0 : i32
    %add3A_2 = arith.addi %add3A, %add3A_1 : i32
    %lt3A = arith.constant 25 : i32
    %lt3A_3 = arith.cmpi slt, %add3A_2, %lt3A : i32
    %convert_element_type3A = arith.extui %lt3A_3 : i1 to i32
    %cond3A = arith.constant 0 : i32
    %cond3A_4 = arith.cmpi ne, %convert_element_type3A, %cond3A : i32
    scf.if %cond3A_4 {
      %mul3A_40 = arith.constant 64 : i32
      %mul3A_41 = arith.muli %add3A_2, %mul3A_40 : i32
      %dma_start3A = tpu.memref_slice %arg3[%mul3A_41] : memref<1600xi32, #tpu.memory_space<hbm>> -> memref<64xi32, #tpu.memory_space<hbm>>
      %dma_start3A_42 = tpu.memref_slice %arg3[%mul3A_41] : memref<1600xi32, #tpu.memory_space<hbm>> -> memref<64xi32, #tpu.memory_space<hbm>>
      tpu.enqueue_dma source(%dma_start3A_42 : memref<64xi32, #tpu.memory_space<hbm>>) target(%arg5 : memref<64xi32, #tpu.memory_space<vmem>>) target_semaphore(%arg7 : memref<!tpu.dma_semaphore, #tpu.memory_space<semaphore_mem>>)
    } else {
    }
    %add3A_5 = arith.constant 0 : i32
    %add3A_6 = arith.addi %add3A, %add3A_5 : i32
    %lt3A_7 = arith.constant 25 : i32
    %lt3A_8 = arith.cmpi slt, %add3A_6, %lt3A_7 : i32
    %convert_element_type3A_9 = arith.extui %lt3A_8 : i1 to i32
    %cond3A_10 = arith.constant 0 : i32
    %cond3A_11 = arith.cmpi ne, %convert_element_type3A_9, %cond3A_10 : i32
    scf.if %cond3A_11 {
      %mul3A_40 = arith.constant 64 : i32
      %mul3A_41 = arith.muli %add3A_6, %mul3A_40 : i32
      %dma_wait3A = tpu.memref_slice %arg3[%mul3A_41] : memref<1600xi32, #tpu.memory_space<hbm>> -> memref<64xi32, #tpu.memory_space<hbm>>
      %dma_wait3A_42 = tpu.memref_slice %arg3[%mul3A_41] : memref<1600xi32, #tpu.memory_space<hbm>> -> memref<64xi32, #tpu.memory_space<hbm>>
      tpu.wait_dma2 semaphore(%arg7 : memref<!tpu.dma_semaphore, #tpu.memory_space<semaphore_mem>>) src(%dma_wait3A_42 : memref<64xi32, #tpu.memory_space<hbm>>) dst(%arg5 : memref<64xi32, #tpu.memory_space<vmem>>)
    } else {
    }
    %add3A_12 = arith.constant 0 : i32
    %add3A_13 = arith.addi %add3A, %add3A_12 : i32
    %lt3A_14 = arith.constant 25 : i32
    %lt3A_15 = arith.cmpi slt, %add3A_13, %lt3A_14 : i32
    %convert_element_type3A_16 = arith.extui %lt3A_15 : i1 to i32
    %cond3A_17 = arith.constant 0 : i32
    %cond3A_18 = arith.cmpi ne, %convert_element_type3A_16, %cond3A_17 : i32
    scf.if %cond3A_18 {
      %mul3A_40 = arith.constant 64 : i32
      %mul3A_41 = arith.muli %add3A_13, %mul3A_40 : i32
      %dma_start3A = arith.constant 0 : i32
      %dma_start3A_42 = arith.constant 0 : i32
      %dma_start3A_43 = tpu.memref_slice %arg2[%dma_start3A, %dma_start3A_42] : memref<6272x256xf32, #tpu.memory_space<hbm>> -> memref<6272x256xf32, #tpu.memory_space<hbm>>
      tpu.enqueue_indirect_dma source(%dma_start3A_43 : memref<6272x256xf32, #tpu.memory_space<hbm>>) target(%arg6 : memref<64x256xf32, #tpu.memory_space<vmem>>) offsets(%arg5 : memref<64xi32, #tpu.memory_space<vmem>>) semaphore(%arg8 : memref<!tpu.dma_semaphore, #tpu.memory_space<semaphore_mem>>)
    } else {
    }
    %add3A_19 = arith.constant 0 : i32
    %add3A_20 = arith.addi %add3A, %add3A_19 : i32
    %lt3A_21 = arith.constant 25 : i32
    %lt3A_22 = arith.cmpi slt, %add3A_20, %lt3A_21 : i32
    %convert_element_type3A_23 = arith.extui %lt3A_22 : i1 to i32
    %cond3A_24 = arith.constant 0 : i32
    %cond3A_25 = arith.cmpi ne, %convert_element_type3A_23, %cond3A_24 : i32
    scf.if %cond3A_25 {
      %mul3A_40 = arith.constant 64 : i32
      %mul3A_41 = arith.muli %add3A_20, %mul3A_40 : i32
      %dma_wait3A = arith.constant 0 : i32
      %dma_wait3A_42 = arith.constant 0 : i32
      %dma_wait3A_43 = tpu.memref_slice %arg2[%dma_wait3A, %dma_wait3A_42] : memref<6272x256xf32, #tpu.memory_space<hbm>> -> memref<6272x256xf32, #tpu.memory_space<hbm>>
      tpu.wait_indirect_dma semaphore(%arg8 : memref<!tpu.dma_semaphore, #tpu.memory_space<semaphore_mem>>) src(%dma_wait3A_43 : memref<6272x256xf32, #tpu.memory_space<hbm>>) dst(%arg6 : memref<64x256xf32, #tpu.memory_space<vmem>>)
    } else {
    }
    %add3A_26 = arith.constant 0 : i32
    %add3A_27 = arith.addi %add3A, %add3A_26 : i32
    %lt3A_28 = arith.constant 25 : i32
    %lt3A_29 = arith.cmpi slt, %add3A_27, %lt3A_28 : i32
    %convert_element_type3A_30 = arith.extui %lt3A_29 : i1 to i32
    %cond3A_31 = arith.constant 0 : i32
    %cond3A_32 = arith.cmpi ne, %convert_element_type3A_30, %cond3A_31 : i32
    scf.if %cond3A_32 {
      %mul3A_40 = arith.constant 64 : i32
      %mul3A_41 = arith.muli %add3A_27, %mul3A_40 : i32
      %dma_start3A = arith.constant 0 : i32
      %dma_start3A_42 = tpu.memref_slice %arg4[%mul3A_41, %dma_start3A] : memref<1600x256xf32, #tpu.memory_space<hbm>> -> memref<64x256xf32, #tpu.memory_space<hbm>>
      %dma_start3A_43 = arith.constant 0 : i32
      %dma_start3A_44 = tpu.memref_slice %arg4[%mul3A_41, %dma_start3A_43] : memref<1600x256xf32, #tpu.memory_space<hbm>> -> memref<64x256xf32, #tpu.memory_space<hbm>>
      tpu.enqueue_dma source(%arg6 : memref<64x256xf32, #tpu.memory_space<vmem>>) target(%dma_start3A_44 : memref<64x256xf32, #tpu.memory_space<hbm>>) target_semaphore(%arg9 : memref<!tpu.dma_semaphore, #tpu.memory_space<semaphore_mem>>)
    } else {
    }
    %add3A_33 = arith.constant 0 : i32
    %add3A_34 = arith.addi %add3A, %add3A_33 : i32
    %lt3A_35 = arith.constant 25 : i32
    %lt3A_36 = arith.cmpi slt, %add3A_34, %lt3A_35 : i32
    %convert_element_type3A_37 = arith.extui %lt3A_36 : i1 to i32
    %cond3A_38 = arith.constant 0 : i32
    %cond3A_39 = arith.cmpi ne, %convert_element_type3A_37, %cond3A_38 : i32
    scf.if %cond3A_39 {
      %mul3A_40 = arith.constant 64 : i32
      %mul3A_41 = arith.muli %add3A_34, %mul3A_40 : i32
      %dma_wait3A = arith.constant 0 : i32
      %dma_wait3A_42 = tpu.memref_slice %arg4[%mul3A_41, %dma_wait3A] : memref<1600x256xf32, #tpu.memory_space<hbm>> -> memref<64x256xf32, #tpu.memory_space<hbm>>
      %dma_wait3A_43 = arith.constant 0 : i32
      %dma_wait3A_44 = tpu.memref_slice %arg4[%mul3A_41, %dma_wait3A_43] : memref<1600x256xf32, #tpu.memory_space<hbm>> -> memref<64x256xf32, #tpu.memory_space<hbm>>
      tpu.wait_dma2 semaphore(%arg9 : memref<!tpu.dma_semaphore, #tpu.memory_space<semaphore_mem>>) src(%arg6 : memref<64x256xf32, #tpu.memory_space<vmem>>) dst(%dma_wait3A_44 : memref<64x256xf32, #tpu.memory_space<hbm>>)
    } else {
    }
    return
  }
}

module attributes {stable_mosaic.version = 14 : i64} {
  func.func @_mm_body(%arg0: i32, %arg1: i32, %arg2: memref<1x448x12xf32, #tpu.memory_space<vmem>>, %arg3: memref<1x12x128xf32, #tpu.memory_space<vmem>>, %arg4: memref<1x1x128xf32, #tpu.memory_space<vmem>>, %arg5: memref<1x448x128xf32, #tpu.memory_space<vmem>>) attributes {dimension_semantics = [#tpu.dimension_semantics<arbitrary>, #tpu.dimension_semantics<arbitrary>], iteration_bounds = array<i64: 1, 28>, scalar_prefetch = 0 : i64, scratch_operands = 0 : i64, tpu.core_type = #tpu.core_type<tc>, window_params = [{transform_indices = @transform_0, window_bounds = array<i64: 1, 448, 12>}, {transform_indices = @transform_1, window_bounds = array<i64: 1, 12, 128>}, {transform_indices = @transform_2, window_bounds = array<i64: 1, 1, 128>}, {transform_indices = @transform_3, window_bounds = array<i64: 1, 448, 128>}]} {
    %get3A = arith.constant 0 : index
    %get3A_0 = arith.constant 0 : index
    %get3A_1 = arith.constant 0 : index
    %get3A_2 = vector.load %arg2[%get3A, %get3A_0, %get3A_1] : memref<1x448x12xf32, #tpu.memory_space<vmem>>, vector<1x448x12xf32>
    %get3A_3 = vector.shape_cast %get3A_2 : vector<1x448x12xf32> to vector<448x12xf32>
    %get3A_4 = arith.constant 0 : index
    %get3A_5 = arith.constant 0 : index
    %get3A_6 = arith.constant 0 : index
    %get3A_7 = vector.load %arg3[%get3A_4, %get3A_5, %get3A_6] : memref<1x12x128xf32, #tpu.memory_space<vmem>>, vector<1x12x128xf32>
    %get3A_8 = vector.shape_cast %get3A_7 : vector<1x12x128xf32> to vector<12x128xf32>
    %dot_general3A = arith.constant dense<0.000000e+00> : vector<448x128xf32>
    %dot_general3A_9 = tpu.matmul %get3A_3, %get3A_8, %dot_general3A {dimension_numbers = #tpu.dot_dimension_numbers<[1], [0], [0], [1], [0, 0, 1, 1], [], []>, transpose_lhs_hint = false} : vector<448x12xf32>, vector<12x128xf32>, vector<448x128xf32> -> vector<448x128xf32>
    %get3A_10 = arith.constant 0 : index
    %get3A_11 = arith.constant 0 : index
    %get3A_12 = arith.constant 0 : index
    %get3A_13 = vector.load %arg4[%get3A_10, %get3A_11, %get3A_12] : memref<1x1x128xf32, #tpu.memory_space<vmem>>, vector<1x1x128xf32>
    %get3A_14 = vector.shape_cast %get3A_13 : vector<1x1x128xf32> to vector<1x128xf32>
    %add3A = vector.broadcast %get3A_14 : vector<1x128xf32> to vector<448x128xf32>
    %add3A_15 = arith.addf %dot_general3A_9, %add3A : vector<448x128xf32>
    %swap3A = arith.constant 0 : index
    %swap3A_16 = arith.constant 0 : index
    %swap3A_17 = arith.constant 0 : index
    %swap3A_18 = vector.load %arg5[%swap3A, %swap3A_16, %swap3A_17] : memref<1x448x128xf32, #tpu.memory_space<vmem>>, vector<1x448x128xf32>
    %swap3A_19 = vector.shape_cast %swap3A_18 : vector<1x448x128xf32> to vector<448x128xf32>
    %swap3A_20 = vector.shape_cast %add3A_15 : vector<448x128xf32> to vector<1x448x128xf32>
    tpu.vector_store %arg5[%swap3A, %swap3A_16, %swap3A_17], %swap3A_20 {strides = array<i32>} : memref<1x448x128xf32, #tpu.memory_space<vmem>>, vector<1x448x128xf32>,
    return
  }
  func.func @transform_0(%arg0: i32, %arg1: i32) -> (i32, i32, i32) {
    %c0_i32 = arith.constant 0 : i32
    %c0_i32_0 = arith.constant 0 : i32
    return %arg0, %arg1, %c0_i32 : i32, i32, i32
  }
  func.func @transform_1(%arg0: i32, %arg1: i32) -> (i32, i32, i32) {
    %c0_i32 = arith.constant 0 : i32
    %c0_i32_0 = arith.constant 0 : i32
    %c0_i32_1 = arith.constant 0 : i32
    return %arg0, %c0_i32, %c0_i32_0 : i32, i32, i32
  }
  func.func @transform_2(%arg0: i32, %arg1: i32) -> (i32, i32, i32) {
    %c0_i32 = arith.constant 0 : i32
    %c0_i32_0 = arith.constant 0 : i32
    %c0_i32_1 = arith.constant 0 : i32
    return %arg0, %c0_i32, %c0_i32_0 : i32, i32, i32
  }
  func.func @transform_3(%arg0: i32, %arg1: i32) -> (i32, i32, i32) {
    %c0_i32 = arith.constant 0 : i32
    %c0_i32_0 = arith.constant 0 : i32
    return %arg0, %arg1, %c0_i32 : i32, i32, i32
  }
}

module attributes {stable_mosaic.version = 14 : i64} {
  func.func @_downqkv_body(%arg0: i32, %arg1: memref<58x58x512xf32, #tpu.memory_space<vmem>>, %arg2: memref<9x512x128xf32, #tpu.memory_space<vmem>>, %arg3: memref<1x128xf32, #tpu.memory_space<vmem>>, %arg4: memref<1x64x192xf32, #tpu.memory_space<vmem>>, %arg5: memref<1x192xf32, #tpu.memory_space<vmem>>, %arg6: memref<2x3136x192xf32, #tpu.memory_space<vmem>>) attributes {dimension_semantics = [#tpu.dimension_semantics<arbitrary>], iteration_bounds = array<i64: 1>, scalar_prefetch = 0 : i64, scratch_operands = 0 : i64, tpu.core_type = #tpu.core_type<tc>, window_params = [{pipeline_mode = #tpu.pipeline_mode<synchronous>, transform_indices = @transform_0, window_bounds = array<i64: 58, 58, 512>}, {pipeline_mode = #tpu.pipeline_mode<synchronous>, transform_indices = @transform_1, window_bounds = array<i64: 9, 512, 128>}, {pipeline_mode = #tpu.pipeline_mode<synchronous>, transform_indices = @transform_2, window_bounds = array<i64: 1, 128>}, {pipeline_mode = #tpu.pipeline_mode<synchronous>, transform_indices = @transform_3, window_bounds = array<i64: 1, 64, 192>}, {pipeline_mode = #tpu.pipeline_mode<synchronous>, transform_indices = @transform_4, window_bounds = array<i64: 1, 192>}, {pipeline_mode = #tpu.pipeline_mode<synchronous>, transform_indices = @transform_5, window_bounds = array<i64: 2, 3136, 192>}]} {
    %get3A = arith.constant 0 : index
    %get3A_0 = arith.constant 0 : index
    %get3A_1 = vector.load %arg3[%get3A, %get3A_0] : memref<1x128xf32, #tpu.memory_space<vmem>>, vector<1x128xf32>
    %get3A_2 = vector.shape_cast %get3A_1 : vector<1x128xf32> to vector<128xf32>
    %broadcast_in_dim3A = vector.shape_cast %get3A_2 : vector<128xf32> to vector<1x128xf32>
    %broadcast_in_dim3A_3 = vector.broadcast %broadcast_in_dim3A : vector<1x128xf32> to vector<3136x128xf32>
    %get3A_4 = arith.constant 0 : index
    %get3A_5 = arith.constant 0 : index
    %get3A_6 = arith.constant 0 : index
    %get3A_7 = vector.load %arg1[%get3A_4, %get3A_5, %get3A_6] : memref<58x58x512xf32, #tpu.memory_space<vmem>>, vector<56x56x512xf32>
    %reshape3A = vector.shape_cast %get3A_7 : vector<56x56x512xf32> to vector<3136x512xf32>
    %get3A_8 = arith.constant 0 : index
    %get3A_9 = arith.constant 0 : index
    %get3A_10 = arith.constant 0 : index
    %get3A_11 = vector.load %arg2[%get3A_8, %get3A_9, %get3A_10] : memref<9x512x128xf32, #tpu.memory_space<vmem>>, vector<1x512x128xf32>
    %get3A_12 = vector.shape_cast %get3A_11 : vector<1x512x128xf32> to vector<512x128xf32>
    %dot_general3A = arith.constant dense<0.000000e+00> : vector<3136x128xf32>
    %dot_general3A_13 = tpu.matmul %reshape3A, %get3A_12, %dot_general3A {dimension_numbers = #tpu.dot_dimension_numbers<[1], [0], [0], [1], [0, 0, 1, 1], [], []>, transpose_lhs_hint = false} : vector<3136x512xf32>, vector<512x128xf32>, vector<3136x128xf32> -> vector<3136x128xf32>
    %add3A = arith.addf %broadcast_in_dim3A_3, %dot_general3A_13 : vector<3136x128xf32>
    %get3A_14 = arith.constant 0 : index
    %get3A_15 = arith.constant 1 : index
    %get3A_16 = arith.constant 0 : index
    %get3A_17 = vector.load %arg1[%get3A_14, %get3A_15, %get3A_16] : memref<58x58x512xf32, #tpu.memory_space<vmem>>, vector<56x56x512xf32>
    %reshape3A_18 = vector.shape_cast %get3A_17 : vector<56x56x512xf32> to vector<3136x512xf32>
    %get3A_19 = arith.constant 1 : index
    %get3A_20 = arith.constant 0 : index
    %get3A_21 = arith.constant 0 : index
    %get3A_22 = vector.load %arg2[%get3A_19, %get3A_20, %get3A_21] : memref<9x512x128xf32, #tpu.memory_space<vmem>>, vector<1x512x128xf32>
    %get3A_23 = vector.shape_cast %get3A_22 : vector<1x512x128xf32> to vector<512x128xf32>
    %dot_general3A_24 = arith.constant dense<0.000000e+00> : vector<3136x128xf32>
    %dot_general3A_25 = tpu.matmul %reshape3A_18, %get3A_23, %dot_general3A_24 {dimension_numbers = #tpu.dot_dimension_numbers<[1], [0], [0], [1], [0, 0, 1, 1], [], []>, transpose_lhs_hint = false} : vector<3136x512xf32>, vector<512x128xf32>, vector<3136x128xf32> -> vector<3136x128xf32>
    %add3A_26 = arith.addf %add3A, %dot_general3A_25 : vector<3136x128xf32>
    %get3A_27 = arith.constant 0 : index
    %get3A_28 = arith.constant 2 : index
    %get3A_29 = arith.constant 0 : index
    %get3A_30 = vector.load %arg1[%get3A_27, %get3A_28, %get3A_29] : memref<58x58x512xf32, #tpu.memory_space<vmem>>, vector<56x56x512xf32>
    %reshape3A_31 = vector.shape_cast %get3A_30 : vector<56x56x512xf32> to vector<3136x512xf32>
    %get3A_32 = arith.constant 2 : index
    %get3A_33 = arith.constant 0 : index
    %get3A_34 = arith.constant 0 : index
    %get3A_35 = vector.load %arg2[%get3A_32, %get3A_33, %get3A_34] : memref<9x512x128xf32, #tpu.memory_space<vmem>>, vector<1x512x128xf32>
    %get3A_36 = vector.shape_cast %get3A_35 : vector<1x512x128xf32> to vector<512x128xf32>
    %dot_general3A_37 = arith.constant dense<0.000000e+00> : vector<3136x128xf32>
    %dot_general3A_38 = tpu.matmul %reshape3A_31, %get3A_36, %dot_general3A_37 {dimension_numbers = #tpu.dot_dimension_numbers<[1], [0], [0], [1], [0, 0, 1, 1], [], []>, transpose_lhs_hint = false} : vector<3136x512xf32>, vector<512x128xf32>, vector<3136x128xf32> -> vector<3136x128xf32>
    %add3A_39 = arith.addf %add3A_26, %dot_general3A_38 : vector<3136x128xf32>
    %get3A_40 = arith.constant 1 : index
    %get3A_41 = arith.constant 0 : index
    %get3A_42 = arith.constant 0 : index
    %get3A_43 = vector.load %arg1[%get3A_40, %get3A_41, %get3A_42] : memref<58x58x512xf32, #tpu.memory_space<vmem>>, vector<56x56x512xf32>
    %reshape3A_44 = vector.shape_cast %get3A_43 : vector<56x56x512xf32> to vector<3136x512xf32>
    %get3A_45 = arith.constant 3 : index
    %get3A_46 = arith.constant 0 : index
    %get3A_47 = arith.constant 0 : index
    %get3A_48 = vector.load %arg2[%get3A_45, %get3A_46, %get3A_47] : memref<9x512x128xf32, #tpu.memory_space<vmem>>, vector<1x512x128xf32>
    %get3A_49 = vector.shape_cast %get3A_48 : vector<1x512x128xf32> to vector<512x128xf32>
    %dot_general3A_50 = arith.constant dense<0.000000e+00> : vector<3136x128xf32>
    %dot_general3A_51 = tpu.matmul %reshape3A_44, %get3A_49, %dot_general3A_50 {dimension_numbers = #tpu.dot_dimension_numbers<[1], [0], [0], [1], [0, 0, 1, 1], [], []>, transpose_lhs_hint = false} : vector<3136x512xf32>, vector<512x128xf32>, vector<3136x128xf32> -> vector<3136x128xf32>
    %add3A_52 = arith.addf %add3A_39, %dot_general3A_51 : vector<3136x128xf32>
    %get3A_53 = arith.constant 1 : index
    %get3A_54 = arith.constant 1 : index
    %get3A_55 = arith.constant 0 : index
    %get3A_56 = vector.load %arg1[%get3A_53, %get3A_54, %get3A_55] : memref<58x58x512xf32, #tpu.memory_space<vmem>>, vector<56x56x512xf32>
    %reshape3A_57 = vector.shape_cast %get3A_56 : vector<56x56x512xf32> to vector<3136x512xf32>
    %get3A_58 = arith.constant 4 : index
    %get3A_59 = arith.constant 0 : index
    %get3A_60 = arith.constant 0 : index
    %get3A_61 = vector.load %arg2[%get3A_58, %get3A_59, %get3A_60] : memref<9x512x128xf32, #tpu.memory_space<vmem>>, vector<1x512x128xf32>
    %get3A_62 = vector.shape_cast %get3A_61 : vector<1x512x128xf32> to vector<512x128xf32>
    %dot_general3A_63 = arith.constant dense<0.000000e+00> : vector<3136x128xf32>
    %dot_general3A_64 = tpu.matmul %reshape3A_57, %get3A_62, %dot_general3A_63 {dimension_numbers = #tpu.dot_dimension_numbers<[1], [0], [0], [1], [0, 0, 1, 1], [], []>, transpose_lhs_hint = false} : vector<3136x512xf32>, vector<512x128xf32>, vector<3136x128xf32> -> vector<3136x128xf32>
    %add3A_65 = arith.addf %add3A_52, %dot_general3A_64 : vector<3136x128xf32>
    %get3A_66 = arith.constant 1 : index
    %get3A_67 = arith.constant 2 : index
    %get3A_68 = arith.constant 0 : index
    %get3A_69 = vector.load %arg1[%get3A_66, %get3A_67, %get3A_68] : memref<58x58x512xf32, #tpu.memory_space<vmem>>, vector<56x56x512xf32>
    %reshape3A_70 = vector.shape_cast %get3A_69 : vector<56x56x512xf32> to vector<3136x512xf32>
    %get3A_71 = arith.constant 5 : index
    %get3A_72 = arith.constant 0 : index
    %get3A_73 = arith.constant 0 : index
    %get3A_74 = vector.load %arg2[%get3A_71, %get3A_72, %get3A_73] : memref<9x512x128xf32, #tpu.memory_space<vmem>>, vector<1x512x128xf32>
    %get3A_75 = vector.shape_cast %get3A_74 : vector<1x512x128xf32> to vector<512x128xf32>
    %dot_general3A_76 = arith.constant dense<0.000000e+00> : vector<3136x128xf32>
    %dot_general3A_77 = tpu.matmul %reshape3A_70, %get3A_75, %dot_general3A_76 {dimension_numbers = #tpu.dot_dimension_numbers<[1], [0], [0], [1], [0, 0, 1, 1], [], []>, transpose_lhs_hint = false} : vector<3136x512xf32>, vector<512x128xf32>, vector<3136x128xf32> -> vector<3136x128xf32>
    %add3A_78 = arith.addf %add3A_65, %dot_general3A_77 : vector<3136x128xf32>
    %get3A_79 = arith.constant 2 : index
    %get3A_80 = arith.constant 0 : index
    %get3A_81 = arith.constant 0 : index
    %get3A_82 = vector.load %arg1[%get3A_79, %get3A_80, %get3A_81] : memref<58x58x512xf32, #tpu.memory_space<vmem>>, vector<56x56x512xf32>
    %reshape3A_83 = vector.shape_cast %get3A_82 : vector<56x56x512xf32> to vector<3136x512xf32>
    %get3A_84 = arith.constant 6 : index
    %get3A_85 = arith.constant 0 : index
    %get3A_86 = arith.constant 0 : index
    %get3A_87 = vector.load %arg2[%get3A_84, %get3A_85, %get3A_86] : memref<9x512x128xf32, #tpu.memory_space<vmem>>, vector<1x512x128xf32>
    %get3A_88 = vector.shape_cast %get3A_87 : vector<1x512x128xf32> to vector<512x128xf32>
    %dot_general3A_89 = arith.constant dense<0.000000e+00> : vector<3136x128xf32>
    %dot_general3A_90 = tpu.matmul %reshape3A_83, %get3A_88, %dot_general3A_89 {dimension_numbers = #tpu.dot_dimension_numbers<[1], [0], [0], [1], [0, 0, 1, 1], [], []>, transpose_lhs_hint = false} : vector<3136x512xf32>, vector<512x128xf32>, vector<3136x128xf32> -> vector<3136x128xf32>
    %add3A_91 = arith.addf %add3A_78, %dot_general3A_90 : vector<3136x128xf32>
    %get3A_92 = arith.constant 2 : index
    %get3A_93 = arith.constant 1 : index
    %get3A_94 = arith.constant 0 : index
    %get3A_95 = vector.load %arg1[%get3A_92, %get3A_93, %get3A_94] : memref<58x58x512xf32, #tpu.memory_space<vmem>>, vector<56x56x512xf32>
    %reshape3A_96 = vector.shape_cast %get3A_95 : vector<56x56x512xf32> to vector<3136x512xf32>
    %get3A_97 = arith.constant 7 : index
    %get3A_98 = arith.constant 0 : index
    %get3A_99 = arith.constant 0 : index
    %get3A_100 = vector.load %arg2[%get3A_97, %get3A_98, %get3A_99] : memref<9x512x128xf32, #tpu.memory_space<vmem>>, vector<1x512x128xf32>
    %get3A_101 = vector.shape_cast %get3A_100 : vector<1x512x128xf32> to vector<512x128xf32>
    %dot_general3A_102 = arith.constant dense<0.000000e+00> : vector<3136x128xf32>
    %dot_general3A_103 = tpu.matmul %reshape3A_96, %get3A_101, %dot_general3A_102 {dimension_numbers = #tpu.dot_dimension_numbers<[1], [0], [0], [1], [0, 0, 1, 1], [], []>, transpose_lhs_hint = false} : vector<3136x512xf32>, vector<512x128xf32>, vector<3136x128xf32> -> vector<3136x128xf32>
    %add3A_104 = arith.addf %add3A_91, %dot_general3A_103 : vector<3136x128xf32>
    %get3A_105 = arith.constant 2 : index
    %get3A_106 = arith.constant 2 : index
    %get3A_107 = arith.constant 0 : index
    %get3A_108 = vector.load %arg1[%get3A_105, %get3A_106, %get3A_107] : memref<58x58x512xf32, #tpu.memory_space<vmem>>, vector<56x56x512xf32>
    %reshape3A_109 = vector.shape_cast %get3A_108 : vector<56x56x512xf32> to vector<3136x512xf32>
    %get3A_110 = arith.constant 8 : index
    %get3A_111 = arith.constant 0 : index
    %get3A_112 = arith.constant 0 : index
    %get3A_113 = vector.load %arg2[%get3A_110, %get3A_111, %get3A_112] : memref<9x512x128xf32, #tpu.memory_space<vmem>>, vector<1x512x128xf32>
    %get3A_114 = vector.shape_cast %get3A_113 : vector<1x512x128xf32> to vector<512x128xf32>
    %dot_general3A_115 = arith.constant dense<0.000000e+00> : vector<3136x128xf32>
    %dot_general3A_116 = tpu.matmul %reshape3A_109, %get3A_114, %dot_general3A_115 {dimension_numbers = #tpu.dot_dimension_numbers<[1], [0], [0], [1], [0, 0, 1, 1], [], []>, transpose_lhs_hint = false} : vector<3136x512xf32>, vector<512x128xf32>, vector<3136x128xf32> -> vector<3136x128xf32>
    %add3A_117 = arith.addf %add3A_104, %dot_general3A_116 : vector<3136x128xf32>
    %slice3A = vector.extract_strided_slice %add3A_117 {offsets = [0, 0], sizes = [3136, 64], strides = [1, 1]} : vector<3136x128xf32> to vector<3136x64xf32>
    %get3A_118 = arith.constant 0 : index
    %get3A_119 = arith.constant 0 : index
    %get3A_120 = arith.constant 0 : index
    %get3A_121 = vector.load %arg4[%get3A_118, %get3A_119, %get3A_120] : memref<1x64x192xf32, #tpu.memory_space<vmem>>, vector<1x64x192xf32>
    %get3A_122 = vector.shape_cast %get3A_121 : vector<1x64x192xf32> to vector<64x192xf32>
    %dot_general3A_123 = arith.constant dense<0.000000e+00> : vector<3136x192xf32>
    %dot_general3A_124 = tpu.matmul %slice3A, %get3A_122, %dot_general3A_123 {dimension_numbers = #tpu.dot_dimension_numbers<[1], [0], [0], [1], [0, 0, 1, 1], [], []>, transpose_lhs_hint = false} : vector<3136x64xf32>, vector<64x192xf32>, vector<3136x192xf32> -> vector<3136x192xf32>
    %get3A_125 = arith.constant 0 : index
    %get3A_126 = arith.constant 0 : index
    %get3A_127 = vector.load %arg5[%get3A_125, %get3A_126] : memref<1x192xf32, #tpu.memory_space<vmem>>, vector<1x192xf32>
    %get3A_128 = vector.shape_cast %get3A_127 : vector<1x192xf32> to vector<192xf32>
    %broadcast_in_dim3A_129 = vector.shape_cast %get3A_128 : vector<192xf32> to vector<1x192xf32>
    %add3A_130 = vector.broadcast %broadcast_in_dim3A_129 : vector<1x192xf32> to vector<3136x192xf32>
    %add3A_131 = arith.addf %dot_general3A_124, %add3A_130 : vector<3136x192xf32>
    %swap3A = arith.constant 0 : index
    %swap3A_132 = arith.constant 0 : index
    %swap3A_133 = arith.constant 0 : index
    %swap3A_134 = vector.load %arg6[%swap3A, %swap3A_132, %swap3A_133] : memref<2x3136x192xf32, #tpu.memory_space<vmem>>, vector<1x3136x192xf32>
    %swap3A_135 = vector.shape_cast %swap3A_134 : vector<1x3136x192xf32> to vector<3136x192xf32>
    %swap3A_136 = vector.shape_cast %add3A_131 : vector<3136x192xf32> to vector<1x3136x192xf32>
    tpu.vector_store %arg6[%swap3A, %swap3A_132, %swap3A_133], %swap3A_136 {strides = array<i32>} : memref<2x3136x192xf32, #tpu.memory_space<vmem>>, vector<1x3136x192xf32>,
    %slice3A_137 = vector.extract_strided_slice %add3A_117 {offsets = [0, 64], sizes = [3136, 64], strides = [1, 1]} : vector<3136x128xf32> to vector<3136x64xf32>
    %get3A_138 = arith.constant 0 : index
    %get3A_139 = arith.constant 0 : index
    %get3A_140 = arith.constant 0 : index
    %get3A_141 = vector.load %arg4[%get3A_138, %get3A_139, %get3A_140] : memref<1x64x192xf32, #tpu.memory_space<vmem>>, vector<1x64x192xf32>
    %get3A_142 = vector.shape_cast %get3A_141 : vector<1x64x192xf32> to vector<64x192xf32>
    %dot_general3A_143 = arith.constant dense<0.000000e+00> : vector<3136x192xf32>
    %dot_general3A_144 = tpu.matmul %slice3A_137, %get3A_142, %dot_general3A_143 {dimension_numbers = #tpu.dot_dimension_numbers<[1], [0], [0], [1], [0, 0, 1, 1], [], []>, transpose_lhs_hint = false} : vector<3136x64xf32>, vector<64x192xf32>, vector<3136x192xf32> -> vector<3136x192xf32>
    %get3A_145 = arith.constant 0 : index
    %get3A_146 = arith.constant 0 : index
    %get3A_147 = vector.load %arg5[%get3A_145, %get3A_146] : memref<1x192xf32, #tpu.memory_space<vmem>>, vector<1x192xf32>
    %get3A_148 = vector.shape_cast %get3A_147 : vector<1x192xf32> to vector<192xf32>
    %broadcast_in_dim3A_149 = vector.shape_cast %get3A_148 : vector<192xf32> to vector<1x192xf32>
    %add3A_150 = vector.broadcast %broadcast_in_dim3A_149 : vector<1x192xf32> to vector<3136x192xf32>
    %add3A_151 = arith.addf %dot_general3A_144, %add3A_150 : vector<3136x192xf32>
    %swap3A_152 = arith.constant 1 : index
    %swap3A_153 = arith.constant 0 : index
    %swap3A_154 = arith.constant 0 : index
    %swap3A_155 = vector.load %arg6[%swap3A_152, %swap3A_153, %swap3A_154] : memref<2x3136x192xf32, #tpu.memory_space<vmem>>, vector<1x3136x192xf32>
    %swap3A_156 = vector.shape_cast %swap3A_155 : vector<1x3136x192xf32> to vector<3136x192xf32>
    %swap3A_157 = vector.shape_cast %add3A_151 : vector<3136x192xf32> to vector<1x3136x192xf32>
    tpu.vector_store %arg6[%swap3A_152, %swap3A_153, %swap3A_154], %swap3A_157 {strides = array<i32>} : memref<2x3136x192xf32, #tpu.memory_space<vmem>>, vector<1x3136x192xf32>,
    return
  }
  func.func @transform_0(%arg0: i32) -> (i32, i32, i32) {
    %c0_i32 = arith.constant 0 : i32
    %c0_i32_0 = arith.constant 0 : i32
    %c0_i32_1 = arith.constant 0 : i32
    %c0_i32_2 = arith.constant 0 : i32
    return %c0_i32, %c0_i32_0, %c0_i32_1 : i32, i32, i32
  }
  func.func @transform_1(%arg0: i32) -> (i32, i32, i32) {
    %c0_i32 = arith.constant 0 : i32
    %c0_i32_0 = arith.constant 0 : i32
    %c0_i32_1 = arith.constant 0 : i32
    %c0_i32_2 = arith.constant 0 : i32
    return %c0_i32, %c0_i32_0, %c0_i32_1 : i32, i32, i32
  }
  func.func @transform_2(%arg0: i32) -> (i32, i32) {
    %c0_i32 = arith.constant 0 : i32
    %c0_i32_0 = arith.constant 0 : i32
    %c0_i32_1 = arith.constant 0 : i32
    return %c0_i32, %c0_i32_0 : i32, i32
  }
  func.func @transform_3(%arg0: i32) -> (i32, i32, i32) {
    %c0_i32 = arith.constant 0 : i32
    %c0_i32_0 = arith.constant 0 : i32
    %c0_i32_1 = arith.constant 0 : i32
    %c0_i32_2 = arith.constant 0 : i32
    return %c0_i32, %c0_i32_0, %c0_i32_1 : i32, i32, i32
  }
  func.func @transform_4(%arg0: i32) -> (i32, i32) {
    %c0_i32 = arith.constant 0 : i32
    %c0_i32_0 = arith.constant 0 : i32
    %c0_i32_1 = arith.constant 0 : i32
    return %c0_i32, %c0_i32_0 : i32, i32
  }
  func.func @transform_5(%arg0: i32) -> (i32, i32, i32) {
    %c0_i32 = arith.constant 0 : i32
    %c0_i32_0 = arith.constant 0 : i32
    %c0_i32_1 = arith.constant 0 : i32
    %c0_i32_2 = arith.constant 0 : i32
    return %c0_i32, %c0_i32_0, %c0_i32_1 : i32, i32, i32
  }
}

module attributes {stable_mosaic.version = 14 : i64} {
  func.func @_attn_body(%arg0: i32, %arg1: i32, %arg2: memref<1x448x192xf32, #tpu.memory_space<vmem>>, %arg3: memref<1x3136x192xf32, #tpu.memory_space<vmem>>, %arg4: memref<1x448x64xf32, #tpu.memory_space<vmem>>, %arg5: memref<1x1x3136xf32, #tpu.memory_space<vmem>>) attributes {dimension_semantics = [#tpu.dimension_semantics<arbitrary>, #tpu.dimension_semantics<arbitrary>], iteration_bounds = array<i64: 2, 7>, scalar_prefetch = 0 : i64, scratch_operands = 0 : i64, tpu.core_type = #tpu.core_type<tc>, window_params = [{transform_indices = @transform_0, window_bounds = array<i64: 1, 448, 192>}, {transform_indices = @transform_1, window_bounds = array<i64: 1, 3136, 192>}, {transform_indices = @transform_2, window_bounds = array<i64: 1, 448, 64>}, {transform_indices = @transform_3, window_bounds = array<i64: 1, 1, 3136>}]} {
    %get3A = arith.constant 0 : index
    %get3A_0 = arith.constant 0 : index
    %get3A_1 = arith.constant 0 : index
    %get3A_2 = vector.load %arg2[%get3A, %get3A_0, %get3A_1] : memref<1x448x192xf32, #tpu.memory_space<vmem>>, vector<1x448x192xf32>
    %get3A_3 = vector.shape_cast %get3A_2 : vector<1x448x192xf32> to vector<448x192xf32>
    %slice3A = vector.extract_strided_slice %get3A_3 {offsets = [0, 0], sizes = [448, 64], strides = [1, 1]} : vector<448x192xf32> to vector<448x64xf32>
    %get3A_4 = arith.constant 0 : index
    %get3A_5 = arith.constant 0 : index
    %get3A_6 = arith.constant 0 : index
    %get3A_7 = vector.load %arg3[%get3A_4, %get3A_5, %get3A_6] : memref<1x3136x192xf32, #tpu.memory_space<vmem>>, vector<1x3136x192xf32>
    %get3A_8 = vector.shape_cast %get3A_7 : vector<1x3136x192xf32> to vector<3136x192xf32>
    %slice3A_9 = vector.extract_strided_slice %get3A_8 {offsets = [0, 64], sizes = [3136, 64], strides = [1, 1]} : vector<3136x192xf32> to vector<3136x64xf32>
    %get3A_10 = arith.constant 0 : index
    %get3A_11 = arith.constant 0 : index
    %get3A_12 = arith.constant 0 : index
    %get3A_13 = vector.load %arg3[%get3A_10, %get3A_11, %get3A_12] : memref<1x3136x192xf32, #tpu.memory_space<vmem>>, vector<1x3136x192xf32>
    %get3A_14 = vector.shape_cast %get3A_13 : vector<1x3136x192xf32> to vector<3136x192xf32>
    %slice3A_15 = vector.extract_strided_slice %get3A_14 {offsets = [0, 128], sizes = [3136, 64], strides = [1, 1]} : vector<3136x192xf32> to vector<3136x64xf32>
    %dot_general3A = arith.constant dense<0.000000e+00> : vector<448x3136xf32>
    %dot_general3A_16 = tpu.matmul %slice3A, %slice3A_9, %dot_general3A {dimension_numbers = #tpu.dot_dimension_numbers<[1], [1], [0], [0], [0, 0, 1, 0], [], []>, transpose_lhs_hint = false} : vector<448x64xf32>, vector<3136x64xf32>, vector<448x3136xf32> -> vector<448x3136xf32>
    %mul3A = arith.constant 1.250000e-01 : f32
    %mul3A_17 = vector.broadcast %mul3A : f32 to vector<448x3136xf32>
    %mul3A_18 = arith.mulf %dot_general3A_16, %mul3A_17 : vector<448x3136xf32>
    %reduce_max3A = arith.constant dense<0xFF800000> : vector<448xf32>
    %reduce_max3A_19 = vector.multi_reduction <maximumf>, %mul3A_18, %reduce_max3A [1] : vector<448x3136xf32> to vector<448xf32>
    %broadcast_in_dim3A = vector.shape_cast %reduce_max3A_19 : vector<448xf32> to vector<448x1xf32>
    %sub3A = vector.broadcast %broadcast_in_dim3A : vector<448x1xf32> to vector<448x3136xf32>
    %sub3A_20 = arith.subf %mul3A_18, %sub3A : vector<448x3136xf32>
    %exp3A = math.exp %sub3A_20 : vector<448x3136xf32>
    %reduce_sum3A = arith.constant dense<0.000000e+00> : vector<448xf32>
    %reduce_sum3A_21 = vector.multi_reduction <add>, %exp3A, %reduce_sum3A [1] : vector<448x3136xf32> to vector<448xf32>
    %broadcast_in_dim3A_22 = vector.shape_cast %reduce_sum3A_21 : vector<448xf32> to vector<448x1xf32>
    %div3A = vector.broadcast %broadcast_in_dim3A_22 : vector<448x1xf32> to vector<448x3136xf32>
    %div3A_23 = arith.divf %exp3A, %div3A : vector<448x3136xf32>
    %dot_general3A_24 = arith.constant dense<0.000000e+00> : vector<448x64xf32>
    %dot_general3A_25 = tpu.matmul %div3A_23, %slice3A_15, %dot_general3A_24 {dimension_numbers = #tpu.dot_dimension_numbers<[1], [0], [0], [1], [0, 0, 1, 1], [], []>, transpose_lhs_hint = false} : vector<448x3136xf32>, vector<3136x64xf32>, vector<448x64xf32> -> vector<448x64xf32>
    %swap3A = arith.constant 0 : index
    %swap3A_26 = arith.constant 0 : index
    %swap3A_27 = arith.constant 0 : index
    %swap3A_28 = vector.load %arg4[%swap3A, %swap3A_26, %swap3A_27] : memref<1x448x64xf32, #tpu.memory_space<vmem>>, vector<1x448x64xf32>
    %swap3A_29 = vector.shape_cast %swap3A_28 : vector<1x448x64xf32> to vector<448x64xf32>
    %swap3A_30 = vector.shape_cast %dot_general3A_25 : vector<448x64xf32> to vector<1x448x64xf32>
    tpu.vector_store %arg4[%swap3A, %swap3A_26, %swap3A_27], %swap3A_30 {strides = array<i32>} : memref<1x448x64xf32, #tpu.memory_space<vmem>>, vector<1x448x64xf32>,
    %reduce_sum3A_31 = arith.constant dense<0.000000e+00> : vector<3136xf32>
    %reduce_sum3A_32 = vector.multi_reduction <add>, %div3A_23, %reduce_sum3A_31 [0] : vector<448x3136xf32> to vector<3136xf32>
    %broadcast_in_dim3A_33 = vector.shape_cast %reduce_sum3A_32 : vector<3136xf32> to vector<1x3136xf32>
    %eq3A = arith.constant 0 : i32
    %eq3A_34 = arith.cmpi eq, %arg1, %eq3A : i32
    %convert_element_type3A = arith.extui %eq3A_34 : i1 to i32
    %cond3A = arith.constant 0 : i32
    %cond3A_35 = arith.cmpi ne, %convert_element_type3A, %cond3A : i32
    scf.if %cond3A_35 {
      %swap3A_40 = arith.constant 0 : index
      %swap3A_41 = arith.constant 0 : index
      %swap3A_42 = arith.constant 0 : index
      %swap3A_43 = vector.load %arg5[%swap3A_40, %swap3A_41, %swap3A_42] : memref<1x1x3136xf32, #tpu.memory_space<vmem>>, vector<1x1x3136xf32>
      %swap3A_44 = vector.shape_cast %swap3A_43 : vector<1x1x3136xf32> to vector<1x3136xf32>
      %swap3A_45 = vector.shape_cast %broadcast_in_dim3A_33 : vector<1x3136xf32> to vector<1x1x3136xf32>
      tpu.vector_store %arg5[%swap3A_40, %swap3A_41, %swap3A_42], %swap3A_45 {strides = array<i32>} : memref<1x1x3136xf32, #tpu.memory_space<vmem>>, vector<1x1x3136xf32>,
    } else {
    }
    %gt3A = arith.constant 0 : i32
    %gt3A_36 = arith.cmpi sgt, %arg1, %gt3A : i32
    %convert_element_type3A_37 = arith.extui %gt3A_36 : i1 to i32
    %cond3A_38 = arith.constant 0 : i32
    %cond3A_39 = arith.cmpi ne, %convert_element_type3A_37, %cond3A_38 : i32
    scf.if %cond3A_39 {
      %get3A_40 = arith.constant 0 : index
      %get3A_41 = arith.constant 0 : index
      %get3A_42 = arith.constant 0 : index
      %get3A_43 = vector.load %arg5[%get3A_40, %get3A_41, %get3A_42] : memref<1x1x3136xf32, #tpu.memory_space<vmem>>, vector<1x1x3136xf32>
      %get3A_44 = vector.shape_cast %get3A_43 : vector<1x1x3136xf32> to vector<1x3136xf32>
      %add3A = arith.addf %get3A_44, %broadcast_in_dim3A_33 : vector<1x3136xf32>
      %swap3A_45 = arith.constant 0 : index
      %swap3A_46 = arith.constant 0 : index
      %swap3A_47 = arith.constant 0 : index
      %swap3A_48 = vector.load %arg5[%swap3A_45, %swap3A_46, %swap3A_47] : memref<1x1x3136xf32, #tpu.memory_space<vmem>>, vector<1x1x3136xf32>
      %swap3A_49 = vector.shape_cast %swap3A_48 : vector<1x1x3136xf32> to vector<1x3136xf32>
      %swap3A_50 = vector.shape_cast %add3A : vector<1x3136xf32> to vector<1x1x3136xf32>
      tpu.vector_store %arg5[%swap3A_45, %swap3A_46, %swap3A_47], %swap3A_50 {strides = array<i32>} : memref<1x1x3136xf32, #tpu.memory_space<vmem>>, vector<1x1x3136xf32>,
    } else {
    }
    return
  }
  func.func @transform_0(%arg0: i32, %arg1: i32) -> (i32, i32, i32) {
    %c0_i32 = arith.constant 0 : i32
    %c0_i32_0 = arith.constant 0 : i32
    return %arg0, %arg1, %c0_i32 : i32, i32, i32
  }
  func.func @transform_1(%arg0: i32, %arg1: i32) -> (i32, i32, i32) {
    %c0_i32 = arith.constant 0 : i32
    %c0_i32_0 = arith.constant 0 : i32
    %c0_i32_1 = arith.constant 0 : i32
    return %arg0, %c0_i32, %c0_i32_0 : i32, i32, i32
  }
  func.func @transform_2(%arg0: i32, %arg1: i32) -> (i32, i32, i32) {
    %c0_i32 = arith.constant 0 : i32
    %c0_i32_0 = arith.constant 0 : i32
    return %arg0, %arg1, %c0_i32 : i32, i32, i32
  }
  func.func @transform_3(%arg0: i32, %arg1: i32) -> (i32, i32, i32) {
    %c0_i32 = arith.constant 0 : i32
    %c0_i32_0 = arith.constant 0 : i32
    %c0_i32_1 = arith.constant 0 : i32
    return %arg0, %c0_i32, %c0_i32_0 : i32, i32, i32
  }
}

module attributes {stable_mosaic.version = 14 : i64} {
  func.func @_rank_body(%arg0: i32, %arg1: memref<1x1x3136xf32, #tpu.memory_space<vmem>>, %arg2: memref<1x3136x1xf32, #tpu.memory_space<vmem>>, %arg3: memref<1x1x784xi32, #tpu.memory_space<vmem>>, %arg4: memref<1x3136x1xi32, #tpu.memory_space<vmem>>) attributes {dimension_semantics = [#tpu.dimension_semantics<arbitrary>], iteration_bounds = array<i64: 2>, scalar_prefetch = 0 : i64, scratch_operands = 0 : i64, tpu.core_type = #tpu.core_type<tc>, window_params = [{transform_indices = @transform_0, window_bounds = array<i64: 1, 1, 3136>}, {transform_indices = @transform_1, window_bounds = array<i64: 1, 3136, 1>}, {transform_indices = @transform_2, window_bounds = array<i64: 1, 1, 784>}, {transform_indices = @transform_3, window_bounds = array<i64: 1, 3136, 1>}]} {
    %get3A = arith.constant 0 : index
    %get3A_0 = arith.constant 0 : index
    %get3A_1 = arith.constant 0 : index
    %get3A_2 = vector.load %arg1[%get3A, %get3A_0, %get3A_1] : memref<1x1x3136xf32, #tpu.memory_space<vmem>>, vector<1x1x3136xf32>
    %get3A_3 = vector.shape_cast %get3A_2 : vector<1x1x3136xf32> to vector<1x3136xf32>
    %iota3A = tpu.iota {dimensions = array<i32: 1>} : vector<448x3136xi32>
    %iota3A_4 = tpu.iota {dimensions = array<i32: 0>} : vector<448x3136xi32>
    %iota3A_5 = tpu.iota {dimensions = array<i32: 1>} : vector<448x784xi32>
    %iota3A_6 = tpu.iota {dimensions = array<i32: 0>} : vector<448x784xi32>
    %scan3A = arith.constant 0 : i32
    %scan3A_7 = arith.constant 7 : i32
    %scan3A_8 = arith.addi %scan3A, %scan3A_7 : i32
    %scan3A_9 = arith.constant 1 : i32
    scf.for %scan3A_23 = %scan3A to %scan3A_8 step %scan3A_9  : i32 {
      %mul3A_24 = arith.constant 448 : i32
      %mul3A_25 = arith.muli %scan3A_23, %mul3A_24 : i32
      %get3A_26 = arith.constant 0 : index
      %get3A_27 = arith.index_cast %mul3A_25 : i32 to index
      %get3A_28 = arith.constant 0 : index
      %get3A_29 = vector.load %arg2[%get3A_26, %get3A_27, %get3A_28] : memref<1x3136x1xf32, #tpu.memory_space<vmem>>, vector<1x448x1xf32>
      %get3A_30 = vector.shape_cast %get3A_29 : vector<1x448x1xf32> to vector<448x1xf32>
      %mul3A_31 = arith.constant 448 : i32
      %mul3A_32 = arith.muli %scan3A_23, %mul3A_31 : i32
      %add3A_33 = vector.broadcast %mul3A_32 : i32 to vector<448x3136xi32>
      %add3A_34 = arith.addi %add3A_33, %iota3A_4 : vector<448x3136xi32>
      %gt3A = vector.broadcast %get3A_3 : vector<1x3136xf32> to vector<448x3136xf32>
      %gt3A_35 = vector.broadcast %get3A_30 : vector<448x1xf32> to vector<448x3136xf32>
      %gt3A_36 = arith.cmpf ogt, %gt3A, %gt3A_35 : vector<448x3136xf32>
      %eq3A = vector.broadcast %get3A_3 : vector<1x3136xf32> to vector<448x3136xf32>
      %eq3A_37 = vector.broadcast %get3A_30 : vector<448x1xf32> to vector<448x3136xf32>
      %eq3A_38 = arith.cmpf oeq, %eq3A, %eq3A_37 : vector<448x3136xf32>
      %lt3A = arith.cmpi slt, %iota3A, %add3A_34 : vector<448x3136xi32>
      %and3A = arith.andi %eq3A_38, %lt3A : vector<448x3136xi1>
      %or3A = arith.ori %gt3A_36, %and3A : vector<448x3136xi1>
      %convert_element_type3A = arith.extui %or3A : vector<448x3136xi1> to vector<448x3136xi32>
      %reduce_sum3A = arith.constant dense<0> : vector<448xi32>
      %reduce_sum3A_39 = vector.multi_reduction <add>, %convert_element_type3A, %reduce_sum3A [1] : vector<448x3136xi32> to vector<448xi32>
      %broadcast_in_dim3A = vector.shape_cast %reduce_sum3A_39 : vector<448xi32> to vector<448x1xi32>
      %eq3A_40 = vector.broadcast %broadcast_in_dim3A : vector<448x1xi32> to vector<448x784xi32>
      %eq3A_41 = arith.cmpi eq, %eq3A_40, %iota3A_5 : vector<448x784xi32>
      %mul3A_42 = arith.constant 448 : i32
      %mul3A_43 = arith.muli %scan3A_23, %mul3A_42 : i32
      %add3A_44 = vector.broadcast %mul3A_43 : i32 to vector<448x784xi32>
      %add3A_45 = arith.addi %add3A_44, %iota3A_6 : vector<448x784xi32>
      %jit3A = arith.constant 0 : i32
      %broadcast_in_dim3A_46 = vector.broadcast %jit3A : i32 to vector<448x784xi32>
      %select_n3A = arith.select %eq3A_41, %add3A_45, %broadcast_in_dim3A_46 : vector<448x784xi1>, vector<448x784xi32>
      %reduce_sum3A_47 = arith.constant dense<0> : vector<784xi32>
      %reduce_sum3A_48 = vector.multi_reduction <add>, %select_n3A, %reduce_sum3A_47 [0] : vector<448x784xi32> to vector<784xi32>
      %broadcast_in_dim3A_49 = vector.shape_cast %reduce_sum3A_48 : vector<784xi32> to vector<1x784xi32>
      %eq3A_50 = arith.constant 0 : i32
      %eq3A_51 = arith.cmpi eq, %scan3A_23, %eq3A_50 : i32
      %convert_element_type3A_52 = arith.extui %eq3A_51 : i1 to i32
      %cond3A = arith.constant 0 : i32
      %cond3A_53 = arith.cmpi ne, %convert_element_type3A_52, %cond3A : i32
      scf.if %cond3A_53 {
        %swap3A_67 = arith.constant 0 : index
        %swap3A_68 = arith.constant 0 : index
        %swap3A_69 = arith.constant 0 : index
        %swap3A_70 = vector.load %arg3[%swap3A_67, %swap3A_68, %swap3A_69] : memref<1x1x784xi32, #tpu.memory_space<vmem>>, vector<1x1x784xi32>
        %swap3A_71 = vector.shape_cast %swap3A_70 : vector<1x1x784xi32> to vector<1x784xi32>
        %swap3A_72 = vector.shape_cast %broadcast_in_dim3A_49 : vector<1x784xi32> to vector<1x1x784xi32>
        tpu.vector_store %arg3[%swap3A_67, %swap3A_68, %swap3A_69], %swap3A_72 {strides = array<i32>} : memref<1x1x784xi32, #tpu.memory_space<vmem>>, vector<1x1x784xi32>,
      } else {
      }
      %gt3A_54 = arith.constant 0 : i32
      %gt3A_55 = arith.cmpi sgt, %scan3A_23, %gt3A_54 : i32
      %convert_element_type3A_56 = arith.extui %gt3A_55 : i1 to i32
      %cond3A_57 = arith.constant 0 : i32
      %cond3A_58 = arith.cmpi ne, %convert_element_type3A_56, %cond3A_57 : i32
      scf.if %cond3A_58 {
        %get3A_67 = arith.constant 0 : index
        %get3A_68 = arith.constant 0 : index
        %get3A_69 = arith.constant 0 : index
        %get3A_70 = vector.load %arg3[%get3A_67, %get3A_68, %get3A_69] : memref<1x1x784xi32, #tpu.memory_space<vmem>>, vector<1x1x784xi32>
        %get3A_71 = vector.shape_cast %get3A_70 : vector<1x1x784xi32> to vector<1x784xi32>
        %add3A_72 = arith.addi %get3A_71, %broadcast_in_dim3A_49 : vector<1x784xi32>
        %swap3A_73 = arith.constant 0 : index
        %swap3A_74 = arith.constant 0 : index
        %swap3A_75 = arith.constant 0 : index
        %swap3A_76 = vector.load %arg3[%swap3A_73, %swap3A_74, %swap3A_75] : memref<1x1x784xi32, #tpu.memory_space<vmem>>, vector<1x1x784xi32>
        %swap3A_77 = vector.shape_cast %swap3A_76 : vector<1x1x784xi32> to vector<1x784xi32>
        %swap3A_78 = vector.shape_cast %add3A_72 : vector<1x784xi32> to vector<1x1x784xi32>
        tpu.vector_store %arg3[%swap3A_73, %swap3A_74, %swap3A_75], %swap3A_78 {strides = array<i32>} : memref<1x1x784xi32, #tpu.memory_space<vmem>>, vector<1x1x784xi32>,
      } else {
      }
      %mul3A_59 = arith.constant 448 : i32
      %mul3A_60 = arith.muli %scan3A_23, %mul3A_59 : i32
      %swap3A_61 = arith.constant 0 : index
      %swap3A_62 = arith.index_cast %mul3A_60 : i32 to index
      %swap3A_63 = arith.constant 0 : index
      %swap3A_64 = vector.load %arg4[%swap3A_61, %swap3A_62, %swap3A_63] : memref<1x3136x1xi32, #tpu.memory_space<vmem>>, vector<1x448x1xi32>
      %swap3A_65 = vector.shape_cast %swap3A_64 : vector<1x448x1xi32> to vector<448x1xi32>
      %swap3A_66 = vector.shape_cast %broadcast_in_dim3A : vector<448x1xi32> to vector<1x448x1xi32>
      tpu.vector_store %arg4[%swap3A_61, %swap3A_62, %swap3A_63], %swap3A_66 {strides = array<i32>} : memref<1x3136x1xi32, #tpu.memory_space<vmem>>, vector<1x448x1xi32>,
    }
    %scan3A_10 = arith.constant 7 : i32
    %get3A_11 = arith.constant 0 : index
    %get3A_12 = arith.constant 0 : index
    %get3A_13 = arith.constant 0 : index
    %get3A_14 = vector.load %arg3[%get3A_11, %get3A_12, %get3A_13] : memref<1x1x784xi32, #tpu.memory_space<vmem>>, vector<1x1x784xi32>
    %get3A_15 = vector.shape_cast %get3A_14 : vector<1x1x784xi32> to vector<1x784xi32>
    %mul3A = arith.constant 3136 : i32
    %mul3A_16 = arith.muli %arg0, %mul3A : i32
    %add3A = vector.broadcast %mul3A_16 : i32 to vector<1x784xi32>
    %add3A_17 = arith.addi %get3A_15, %add3A : vector<1x784xi32>
    %swap3A = arith.constant 0 : index
    %swap3A_18 = arith.constant 0 : index
    %swap3A_19 = arith.constant 0 : index
    %swap3A_20 = vector.load %arg3[%swap3A, %swap3A_18, %swap3A_19] : memref<1x1x784xi32, #tpu.memory_space<vmem>>, vector<1x1x784xi32>
    %swap3A_21 = vector.shape_cast %swap3A_20 : vector<1x1x784xi32> to vector<1x784xi32>
    %swap3A_22 = vector.shape_cast %add3A_17 : vector<1x784xi32> to vector<1x1x784xi32>
    tpu.vector_store %arg3[%swap3A, %swap3A_18, %swap3A_19], %swap3A_22 {strides = array<i32>} : memref<1x1x784xi32, #tpu.memory_space<vmem>>, vector<1x1x784xi32>,
    return
  }
  func.func @transform_0(%arg0: i32) -> (i32, i32, i32) {
    %c0_i32 = arith.constant 0 : i32
    %c0_i32_0 = arith.constant 0 : i32
    %c0_i32_1 = arith.constant 0 : i32
    return %arg0, %c0_i32, %c0_i32_0 : i32, i32, i32
  }
  func.func @transform_1(%arg0: i32) -> (i32, i32, i32) {
    %c0_i32 = arith.constant 0 : i32
    %c0_i32_0 = arith.constant 0 : i32
    %c0_i32_1 = arith.constant 0 : i32
    return %arg0, %c0_i32, %c0_i32_0 : i32, i32, i32
  }
  func.func @transform_2(%arg0: i32) -> (i32, i32, i32) {
    %c0_i32 = arith.constant 0 : i32
    %c0_i32_0 = arith.constant 0 : i32
    %c0_i32_1 = arith.constant 0 : i32
    return %arg0, %c0_i32, %c0_i32_0 : i32, i32, i32
  }
  func.func @transform_3(%arg0: i32) -> (i32, i32, i32) {
    %c0_i32 = arith.constant 0 : i32
    %c0_i32_0 = arith.constant 0 : i32
    %c0_i32_1 = arith.constant 0 : i32
    return %arg0, %c0_i32, %c0_i32_0 : i32, i32, i32
  }
}

module attributes {stable_mosaic.version = 14 : i64} {
  func.func @_upconv_body(%arg0: i32, %arg1: memref<58x58x128xf32, #tpu.memory_space<vmem>>, %arg2: memref<16x128x128xf32, #tpu.memory_space<vmem>>, %arg3: memref<1x128xf32, #tpu.memory_space<vmem>>, %arg4: memref<4x3136x128xf32, #tpu.memory_space<vmem>>) attributes {dimension_semantics = [#tpu.dimension_semantics<arbitrary>], iteration_bounds = array<i64: 1>, scalar_prefetch = 0 : i64, scratch_operands = 0 : i64, tpu.core_type = #tpu.core_type<tc>, window_params = [{pipeline_mode = #tpu.pipeline_mode<synchronous>, transform_indices = @transform_0, window_bounds = array<i64: 58, 58, 128>}, {pipeline_mode = #tpu.pipeline_mode<synchronous>, transform_indices = @transform_1, window_bounds = array<i64: 16, 128, 128>}, {pipeline_mode = #tpu.pipeline_mode<synchronous>, transform_indices = @transform_2, window_bounds = array<i64: 1, 128>}, {pipeline_mode = #tpu.pipeline_mode<synchronous>, transform_indices = @transform_3, window_bounds = array<i64: 4, 3136, 128>}]} {
    %get3A = arith.constant 0 : index
    %get3A_0 = arith.constant 0 : index
    %get3A_1 = vector.load %arg3[%get3A, %get3A_0] : memref<1x128xf32, #tpu.memory_space<vmem>>, vector<1x128xf32>
    %get3A_2 = vector.shape_cast %get3A_1 : vector<1x128xf32> to vector<128xf32>
    %broadcast_in_dim3A = vector.shape_cast %get3A_2 : vector<128xf32> to vector<1x128xf32>
    %broadcast_in_dim3A_3 = vector.broadcast %broadcast_in_dim3A : vector<1x128xf32> to vector<3136x128xf32>
    %get3A_4 = arith.constant 0 : index
    %get3A_5 = arith.constant 0 : index
    %get3A_6 = arith.constant 0 : index
    %get3A_7 = vector.load %arg1[%get3A_4, %get3A_5, %get3A_6] : memref<58x58x128xf32, #tpu.memory_space<vmem>>, vector<56x56x128xf32>
    %reshape3A = vector.shape_cast %get3A_7 : vector<56x56x128xf32> to vector<3136x128xf32>
    %get3A_8 = arith.constant 0 : index
    %get3A_9 = arith.constant 0 : index
    %get3A_10 = arith.constant 0 : index
    %get3A_11 = vector.load %arg2[%get3A_8, %get3A_9, %get3A_10] : memref<16x128x128xf32, #tpu.memory_space<vmem>>, vector<1x128x128xf32>
    %get3A_12 = vector.shape_cast %get3A_11 : vector<1x128x128xf32> to vector<128x128xf32>
    %dot_general3A = arith.constant dense<0.000000e+00> : vector<3136x128xf32>
    %dot_general3A_13 = tpu.matmul %reshape3A, %get3A_12, %dot_general3A {dimension_numbers = #tpu.dot_dimension_numbers<[1], [0], [0], [1], [0, 0, 1, 1], [], []>, transpose_lhs_hint = false} : vector<3136x128xf32>, vector<128x128xf32>, vector<3136x128xf32> -> vector<3136x128xf32>
    %add3A = arith.addf %broadcast_in_dim3A_3, %dot_general3A_13 : vector<3136x128xf32>
    %get3A_14 = arith.constant 0 : index
    %get3A_15 = arith.constant 1 : index
    %get3A_16 = arith.constant 0 : index
    %get3A_17 = vector.load %arg1[%get3A_14, %get3A_15, %get3A_16] : memref<58x58x128xf32, #tpu.memory_space<vmem>>, vector<56x56x128xf32>
    %reshape3A_18 = vector.shape_cast %get3A_17 : vector<56x56x128xf32> to vector<3136x128xf32>
    %get3A_19 = arith.constant 1 : index
    %get3A_20 = arith.constant 0 : index
    %get3A_21 = arith.constant 0 : index
    %get3A_22 = vector.load %arg2[%get3A_19, %get3A_20, %get3A_21] : memref<16x128x128xf32, #tpu.memory_space<vmem>>, vector<1x128x128xf32>
    %get3A_23 = vector.shape_cast %get3A_22 : vector<1x128x128xf32> to vector<128x128xf32>
    %dot_general3A_24 = arith.constant dense<0.000000e+00> : vector<3136x128xf32>
    %dot_general3A_25 = tpu.matmul %reshape3A_18, %get3A_23, %dot_general3A_24 {dimension_numbers = #tpu.dot_dimension_numbers<[1], [0], [0], [1], [0, 0, 1, 1], [], []>, transpose_lhs_hint = false} : vector<3136x128xf32>, vector<128x128xf32>, vector<3136x128xf32> -> vector<3136x128xf32>
    %add3A_26 = arith.addf %add3A, %dot_general3A_25 : vector<3136x128xf32>
    %get3A_27 = arith.constant 1 : index
    %get3A_28 = arith.constant 0 : index
    %get3A_29 = arith.constant 0 : index
    %get3A_30 = vector.load %arg1[%get3A_27, %get3A_28, %get3A_29] : memref<58x58x128xf32, #tpu.memory_space<vmem>>, vector<56x56x128xf32>
    %reshape3A_31 = vector.shape_cast %get3A_30 : vector<56x56x128xf32> to vector<3136x128xf32>
    %get3A_32 = arith.constant 2 : index
    %get3A_33 = arith.constant 0 : index
    %get3A_34 = arith.constant 0 : index
    %get3A_35 = vector.load %arg2[%get3A_32, %get3A_33, %get3A_34] : memref<16x128x128xf32, #tpu.memory_space<vmem>>, vector<1x128x128xf32>
    %get3A_36 = vector.shape_cast %get3A_35 : vector<1x128x128xf32> to vector<128x128xf32>
    %dot_general3A_37 = arith.constant dense<0.000000e+00> : vector<3136x128xf32>
    %dot_general3A_38 = tpu.matmul %reshape3A_31, %get3A_36, %dot_general3A_37 {dimension_numbers = #tpu.dot_dimension_numbers<[1], [0], [0], [1], [0, 0, 1, 1], [], []>, transpose_lhs_hint = false} : vector<3136x128xf32>, vector<128x128xf32>, vector<3136x128xf32> -> vector<3136x128xf32>
    %add3A_39 = arith.addf %add3A_26, %dot_general3A_38 : vector<3136x128xf32>
    %get3A_40 = arith.constant 1 : index
    %get3A_41 = arith.constant 1 : index
    %get3A_42 = arith.constant 0 : index
    %get3A_43 = vector.load %arg1[%get3A_40, %get3A_41, %get3A_42] : memref<58x58x128xf32, #tpu.memory_space<vmem>>, vector<56x56x128xf32>
    %reshape3A_44 = vector.shape_cast %get3A_43 : vector<56x56x128xf32> to vector<3136x128xf32>
    %get3A_45 = arith.constant 3 : index
    %get3A_46 = arith.constant 0 : index
    %get3A_47 = arith.constant 0 : index
    %get3A_48 = vector.load %arg2[%get3A_45, %get3A_46, %get3A_47] : memref<16x128x128xf32, #tpu.memory_space<vmem>>, vector<1x128x128xf32>
    %get3A_49 = vector.shape_cast %get3A_48 : vector<1x128x128xf32> to vector<128x128xf32>
    %dot_general3A_50 = arith.constant dense<0.000000e+00> : vector<3136x128xf32>
    %dot_general3A_51 = tpu.matmul %reshape3A_44, %get3A_49, %dot_general3A_50 {dimension_numbers = #tpu.dot_dimension_numbers<[1], [0], [0], [1], [0, 0, 1, 1], [], []>, transpose_lhs_hint = false} : vector<3136x128xf32>, vector<128x128xf32>, vector<3136x128xf32> -> vector<3136x128xf32>
    %add3A_52 = arith.addf %add3A_39, %dot_general3A_51 : vector<3136x128xf32>
    %swap3A = arith.constant 0 : index
    %swap3A_53 = arith.constant 0 : index
    %swap3A_54 = arith.constant 0 : index
    %swap3A_55 = vector.load %arg4[%swap3A, %swap3A_53, %swap3A_54] : memref<4x3136x128xf32, #tpu.memory_space<vmem>>, vector<1x3136x128xf32>
    %swap3A_56 = vector.shape_cast %swap3A_55 : vector<1x3136x128xf32> to vector<3136x128xf32>
    %swap3A_57 = vector.shape_cast %add3A_52 : vector<3136x128xf32> to vector<1x3136x128xf32>
    tpu.vector_store %arg4[%swap3A, %swap3A_53, %swap3A_54], %swap3A_57 {strides = array<i32>} : memref<4x3136x128xf32, #tpu.memory_space<vmem>>, vector<1x3136x128xf32>,
    %get3A_58 = arith.constant 0 : index
    %get3A_59 = arith.constant 0 : index
    %get3A_60 = vector.load %arg3[%get3A_58, %get3A_59] : memref<1x128xf32, #tpu.memory_space<vmem>>, vector<1x128xf32>
    %get3A_61 = vector.shape_cast %get3A_60 : vector<1x128xf32> to vector<128xf32>
    %broadcast_in_dim3A_62 = vector.shape_cast %get3A_61 : vector<128xf32> to vector<1x128xf32>
    %broadcast_in_dim3A_63 = vector.broadcast %broadcast_in_dim3A_62 : vector<1x128xf32> to vector<3136x128xf32>
    %get3A_64 = arith.constant 0 : index
    %get3A_65 = arith.constant 1 : index
    %get3A_66 = arith.constant 0 : index
    %get3A_67 = vector.load %arg1[%get3A_64, %get3A_65, %get3A_66] : memref<58x58x128xf32, #tpu.memory_space<vmem>>, vector<56x56x128xf32>
    %reshape3A_68 = vector.shape_cast %get3A_67 : vector<56x56x128xf32> to vector<3136x128xf32>
    %get3A_69 = arith.constant 4 : index
    %get3A_70 = arith.constant 0 : index
    %get3A_71 = arith.constant 0 : index
    %get3A_72 = vector.load %arg2[%get3A_69, %get3A_70, %get3A_71] : memref<16x128x128xf32, #tpu.memory_space<vmem>>, vector<1x128x128xf32>
    %get3A_73 = vector.shape_cast %get3A_72 : vector<1x128x128xf32> to vector<128x128xf32>
    %dot_general3A_74 = arith.constant dense<0.000000e+00> : vector<3136x128xf32>
    %dot_general3A_75 = tpu.matmul %reshape3A_68, %get3A_73, %dot_general3A_74 {dimension_numbers = #tpu.dot_dimension_numbers<[1], [0], [0], [1], [0, 0, 1, 1], [], []>, transpose_lhs_hint = false} : vector<3136x128xf32>, vector<128x128xf32>, vector<3136x128xf32> -> vector<3136x128xf32>
    %add3A_76 = arith.addf %broadcast_in_dim3A_63, %dot_general3A_75 : vector<3136x128xf32>
    %get3A_77 = arith.constant 0 : index
    %get3A_78 = arith.constant 2 : index
    %get3A_79 = arith.constant 0 : index
    %get3A_80 = vector.load %arg1[%get3A_77, %get3A_78, %get3A_79] : memref<58x58x128xf32, #tpu.memory_space<vmem>>, vector<56x56x128xf32>
    %reshape3A_81 = vector.shape_cast %get3A_80 : vector<56x56x128xf32> to vector<3136x128xf32>
    %get3A_82 = arith.constant 5 : index
    %get3A_83 = arith.constant 0 : index
    %get3A_84 = arith.constant 0 : index
    %get3A_85 = vector.load %arg2[%get3A_82, %get3A_83, %get3A_84] : memref<16x128x128xf32, #tpu.memory_space<vmem>>, vector<1x128x128xf32>
    %get3A_86 = vector.shape_cast %get3A_85 : vector<1x128x128xf32> to vector<128x128xf32>
    %dot_general3A_87 = arith.constant dense<0.000000e+00> : vector<3136x128xf32>
    %dot_general3A_88 = tpu.matmul %reshape3A_81, %get3A_86, %dot_general3A_87 {dimension_numbers = #tpu.dot_dimension_numbers<[1], [0], [0], [1], [0, 0, 1, 1], [], []>, transpose_lhs_hint = false} : vector<3136x128xf32>, vector<128x128xf32>, vector<3136x128xf32> -> vector<3136x128xf32>
    %add3A_89 = arith.addf %add3A_76, %dot_general3A_88 : vector<3136x128xf32>
    %get3A_90 = arith.constant 1 : index
    %get3A_91 = arith.constant 1 : index
    %get3A_92 = arith.constant 0 : index
    %get3A_93 = vector.load %arg1[%get3A_90, %get3A_91, %get3A_92] : memref<58x58x128xf32, #tpu.memory_space<vmem>>, vector<56x56x128xf32>
    %reshape3A_94 = vector.shape_cast %get3A_93 : vector<56x56x128xf32> to vector<3136x128xf32>
    %get3A_95 = arith.constant 6 : index
    %get3A_96 = arith.constant 0 : index
    %get3A_97 = arith.constant 0 : index
    %get3A_98 = vector.load %arg2[%get3A_95, %get3A_96, %get3A_97] : memref<16x128x128xf32, #tpu.memory_space<vmem>>, vector<1x128x128xf32>
    %get3A_99 = vector.shape_cast %get3A_98 : vector<1x128x128xf32> to vector<128x128xf32>
    %dot_general3A_100 = arith.constant dense<0.000000e+00> : vector<3136x128xf32>
    %dot_general3A_101 = tpu.matmul %reshape3A_94, %get3A_99, %dot_general3A_100 {dimension_numbers = #tpu.dot_dimension_numbers<[1], [0], [0], [1], [0, 0, 1, 1], [], []>, transpose_lhs_hint = false} : vector<3136x128xf32>, vector<128x128xf32>, vector<3136x128xf32> -> vector<3136x128xf32>
    %add3A_102 = arith.addf %add3A_89, %dot_general3A_101 : vector<3136x128xf32>
    %get3A_103 = arith.constant 1 : index
    %get3A_104 = arith.constant 2 : index
    %get3A_105 = arith.constant 0 : index
    %get3A_106 = vector.load %arg1[%get3A_103, %get3A_104, %get3A_105] : memref<58x58x128xf32, #tpu.memory_space<vmem>>, vector<56x56x128xf32>
    %reshape3A_107 = vector.shape_cast %get3A_106 : vector<56x56x128xf32> to vector<3136x128xf32>
    %get3A_108 = arith.constant 7 : index
    %get3A_109 = arith.constant 0 : index
    %get3A_110 = arith.constant 0 : index
    %get3A_111 = vector.load %arg2[%get3A_108, %get3A_109, %get3A_110] : memref<16x128x128xf32, #tpu.memory_space<vmem>>, vector<1x128x128xf32>
    %get3A_112 = vector.shape_cast %get3A_111 : vector<1x128x128xf32> to vector<128x128xf32>
    %dot_general3A_113 = arith.constant dense<0.000000e+00> : vector<3136x128xf32>
    %dot_general3A_114 = tpu.matmul %reshape3A_107, %get3A_112, %dot_general3A_113 {dimension_numbers = #tpu.dot_dimension_numbers<[1], [0], [0], [1], [0, 0, 1, 1], [], []>, transpose_lhs_hint = false} : vector<3136x128xf32>, vector<128x128xf32>, vector<3136x128xf32> -> vector<3136x128xf32>
    %add3A_115 = arith.addf %add3A_102, %dot_general3A_114 : vector<3136x128xf32>
    %swap3A_116 = arith.constant 1 : index
    %swap3A_117 = arith.constant 0 : index
    %swap3A_118 = arith.constant 0 : index
    %swap3A_119 = vector.load %arg4[%swap3A_116, %swap3A_117, %swap3A_118] : memref<4x3136x128xf32, #tpu.memory_space<vmem>>, vector<1x3136x128xf32>
    %swap3A_120 = vector.shape_cast %swap3A_119 : vector<1x3136x128xf32> to vector<3136x128xf32>
    %swap3A_121 = vector.shape_cast %add3A_115 : vector<3136x128xf32> to vector<1x3136x128xf32>
    tpu.vector_store %arg4[%swap3A_116, %swap3A_117, %swap3A_118], %swap3A_121 {strides = array<i32>} : memref<4x3136x128xf32, #tpu.memory_space<vmem>>, vector<1x3136x128xf32>,
    %get3A_122 = arith.constant 0 : index
    %get3A_123 = arith.constant 0 : index
    %get3A_124 = vector.load %arg3[%get3A_122, %get3A_123] : memref<1x128xf32, #tpu.memory_space<vmem>>, vector<1x128xf32>
    %get3A_125 = vector.shape_cast %get3A_124 : vector<1x128xf32> to vector<128xf32>
    %broadcast_in_dim3A_126 = vector.shape_cast %get3A_125 : vector<128xf32> to vector<1x128xf32>
    %broadcast_in_dim3A_127 = vector.broadcast %broadcast_in_dim3A_126 : vector<1x128xf32> to vector<3136x128xf32>
    %get3A_128 = arith.constant 1 : index
    %get3A_129 = arith.constant 0 : index
    %get3A_130 = arith.constant 0 : index
    %get3A_131 = vector.load %arg1[%get3A_128, %get3A_129, %get3A_130] : memref<58x58x128xf32, #tpu.memory_space<vmem>>, vector<56x56x128xf32>
    %reshape3A_132 = vector.shape_cast %get3A_131 : vector<56x56x128xf32> to vector<3136x128xf32>
    %get3A_133 = arith.constant 8 : index
    %get3A_134 = arith.constant 0 : index
    %get3A_135 = arith.constant 0 : index
    %get3A_136 = vector.load %arg2[%get3A_133, %get3A_134, %get3A_135] : memref<16x128x128xf32, #tpu.memory_space<vmem>>, vector<1x128x128xf32>
    %get3A_137 = vector.shape_cast %get3A_136 : vector<1x128x128xf32> to vector<128x128xf32>
    %dot_general3A_138 = arith.constant dense<0.000000e+00> : vector<3136x128xf32>
    %dot_general3A_139 = tpu.matmul %reshape3A_132, %get3A_137, %dot_general3A_138 {dimension_numbers = #tpu.dot_dimension_numbers<[1], [0], [0], [1], [0, 0, 1, 1], [], []>, transpose_lhs_hint = false} : vector<3136x128xf32>, vector<128x128xf32>, vector<3136x128xf32> -> vector<3136x128xf32>
    %add3A_140 = arith.addf %broadcast_in_dim3A_127, %dot_general3A_139 : vector<3136x128xf32>
    %get3A_141 = arith.constant 1 : index
    %get3A_142 = arith.constant 1 : index
    %get3A_143 = arith.constant 0 : index
    %get3A_144 = vector.load %arg1[%get3A_141, %get3A_142, %get3A_143] : memref<58x58x128xf32, #tpu.memory_space<vmem>>, vector<56x56x128xf32>
    %reshape3A_145 = vector.shape_cast %get3A_144 : vector<56x56x128xf32> to vector<3136x128xf32>
    %get3A_146 = arith.constant 9 : index
    %get3A_147 = arith.constant 0 : index
    %get3A_148 = arith.constant 0 : index
    %get3A_149 = vector.load %arg2[%get3A_146, %get3A_147, %get3A_148] : memref<16x128x128xf32, #tpu.memory_space<vmem>>, vector<1x128x128xf32>
    %get3A_150 = vector.shape_cast %get3A_149 : vector<1x128x128xf32> to vector<128x128xf32>
    %dot_general3A_151 = arith.constant dense<0.000000e+00> : vector<3136x128xf32>
    %dot_general3A_152 = tpu.matmul %reshape3A_145, %get3A_150, %dot_general3A_151 {dimension_numbers = #tpu.dot_dimension_numbers<[1], [0], [0], [1], [0, 0, 1, 1], [], []>, transpose_lhs_hint = false} : vector<3136x128xf32>, vector<128x128xf32>, vector<3136x128xf32> -> vector<3136x128xf32>
    %add3A_153 = arith.addf %add3A_140, %dot_general3A_152 : vector<3136x128xf32>
    %get3A_154 = arith.constant 2 : index
    %get3A_155 = arith.constant 0 : index
    %get3A_156 = arith.constant 0 : index
    %get3A_157 = vector.load %arg1[%get3A_154, %get3A_155, %get3A_156] : memref<58x58x128xf32, #tpu.memory_space<vmem>>, vector<56x56x128xf32>
    %reshape3A_158 = vector.shape_cast %get3A_157 : vector<56x56x128xf32> to vector<3136x128xf32>
    %get3A_159 = arith.constant 10 : index
    %get3A_160 = arith.constant 0 : index
    %get3A_161 = arith.constant 0 : index
    %get3A_162 = vector.load %arg2[%get3A_159, %get3A_160, %get3A_161] : memref<16x128x128xf32, #tpu.memory_space<vmem>>, vector<1x128x128xf32>
    %get3A_163 = vector.shape_cast %get3A_162 : vector<1x128x128xf32> to vector<128x128xf32>
    %dot_general3A_164 = arith.constant dense<0.000000e+00> : vector<3136x128xf32>
    %dot_general3A_165 = tpu.matmul %reshape3A_158, %get3A_163, %dot_general3A_164 {dimension_numbers = #tpu.dot_dimension_numbers<[1], [0], [0], [1], [0, 0, 1, 1], [], []>, transpose_lhs_hint = false} : vector<3136x128xf32>, vector<128x128xf32>, vector<3136x128xf32> -> vector<3136x128xf32>
    %add3A_166 = arith.addf %add3A_153, %dot_general3A_165 : vector<3136x128xf32>
    %get3A_167 = arith.constant 2 : index
    %get3A_168 = arith.constant 1 : index
    %get3A_169 = arith.constant 0 : index
    %get3A_170 = vector.load %arg1[%get3A_167, %get3A_168, %get3A_169] : memref<58x58x128xf32, #tpu.memory_space<vmem>>, vector<56x56x128xf32>
    %reshape3A_171 = vector.shape_cast %get3A_170 : vector<56x56x128xf32> to vector<3136x128xf32>
    %get3A_172 = arith.constant 11 : index
    %get3A_173 = arith.constant 0 : index
    %get3A_174 = arith.constant 0 : index
    %get3A_175 = vector.load %arg2[%get3A_172, %get3A_173, %get3A_174] : memref<16x128x128xf32, #tpu.memory_space<vmem>>, vector<1x128x128xf32>
    %get3A_176 = vector.shape_cast %get3A_175 : vector<1x128x128xf32> to vector<128x128xf32>
    %dot_general3A_177 = arith.constant dense<0.000000e+00> : vector<3136x128xf32>
    %dot_general3A_178 = tpu.matmul %reshape3A_171, %get3A_176, %dot_general3A_177 {dimension_numbers = #tpu.dot_dimension_numbers<[1], [0], [0], [1], [0, 0, 1, 1], [], []>, transpose_lhs_hint = false} : vector<3136x128xf32>, vector<128x128xf32>, vector<3136x128xf32> -> vector<3136x128xf32>
    %add3A_179 = arith.addf %add3A_166, %dot_general3A_178 : vector<3136x128xf32>
    %swap3A_180 = arith.constant 2 : index
    %swap3A_181 = arith.constant 0 : index
    %swap3A_182 = arith.constant 0 : index
    %swap3A_183 = vector.load %arg4[%swap3A_180, %swap3A_181, %swap3A_182] : memref<4x3136x128xf32, #tpu.memory_space<vmem>>, vector<1x3136x128xf32>
    %swap3A_184 = vector.shape_cast %swap3A_183 : vector<1x3136x128xf32> to vector<3136x128xf32>
    %swap3A_185 = vector.shape_cast %add3A_179 : vector<3136x128xf32> to vector<1x3136x128xf32>
    tpu.vector_store %arg4[%swap3A_180, %swap3A_181, %swap3A_182], %swap3A_185 {strides = array<i32>} : memref<4x3136x128xf32, #tpu.memory_space<vmem>>, vector<1x3136x128xf32>,
    %get3A_186 = arith.constant 0 : index
    %get3A_187 = arith.constant 0 : index
    %get3A_188 = vector.load %arg3[%get3A_186, %get3A_187] : memref<1x128xf32, #tpu.memory_space<vmem>>, vector<1x128xf32>
    %get3A_189 = vector.shape_cast %get3A_188 : vector<1x128xf32> to vector<128xf32>
    %broadcast_in_dim3A_190 = vector.shape_cast %get3A_189 : vector<128xf32> to vector<1x128xf32>
    %broadcast_in_dim3A_191 = vector.broadcast %broadcast_in_dim3A_190 : vector<1x128xf32> to vector<3136x128xf32>
    %get3A_192 = arith.constant 1 : index
    %get3A_193 = arith.constant 1 : index
    %get3A_194 = arith.constant 0 : index
    %get3A_195 = vector.load %arg1[%get3A_192, %get3A_193, %get3A_194] : memref<58x58x128xf32, #tpu.memory_space<vmem>>, vector<56x56x128xf32>
    %reshape3A_196 = vector.shape_cast %get3A_195 : vector<56x56x128xf32> to vector<3136x128xf32>
    %get3A_197 = arith.constant 12 : index
    %get3A_198 = arith.constant 0 : index
    %get3A_199 = arith.constant 0 : index
    %get3A_200 = vector.load %arg2[%get3A_197, %get3A_198, %get3A_199] : memref<16x128x128xf32, #tpu.memory_space<vmem>>, vector<1x128x128xf32>
    %get3A_201 = vector.shape_cast %get3A_200 : vector<1x128x128xf32> to vector<128x128xf32>
    %dot_general3A_202 = arith.constant dense<0.000000e+00> : vector<3136x128xf32>
    %dot_general3A_203 = tpu.matmul %reshape3A_196, %get3A_201, %dot_general3A_202 {dimension_numbers = #tpu.dot_dimension_numbers<[1], [0], [0], [1], [0, 0, 1, 1], [], []>, transpose_lhs_hint = false} : vector<3136x128xf32>, vector<128x128xf32>, vector<3136x128xf32> -> vector<3136x128xf32>
    %add3A_204 = arith.addf %broadcast_in_dim3A_191, %dot_general3A_203 : vector<3136x128xf32>
    %get3A_205 = arith.constant 1 : index
    %get3A_206 = arith.constant 2 : index
    %get3A_207 = arith.constant 0 : index
    %get3A_208 = vector.load %arg1[%get3A_205, %get3A_206, %get3A_207] : memref<58x58x128xf32, #tpu.memory_space<vmem>>, vector<56x56x128xf32>
    %reshape3A_209 = vector.shape_cast %get3A_208 : vector<56x56x128xf32> to vector<3136x128xf32>
    %get3A_210 = arith.constant 13 : index
    %get3A_211 = arith.constant 0 : index
    %get3A_212 = arith.constant 0 : index
    %get3A_213 = vector.load %arg2[%get3A_210, %get3A_211, %get3A_212] : memref<16x128x128xf32, #tpu.memory_space<vmem>>, vector<1x128x128xf32>
    %get3A_214 = vector.shape_cast %get3A_213 : vector<1x128x128xf32> to vector<128x128xf32>
    %dot_general3A_215 = arith.constant dense<0.000000e+00> : vector<3136x128xf32>
    %dot_general3A_216 = tpu.matmul %reshape3A_209, %get3A_214, %dot_general3A_215 {dimension_numbers = #tpu.dot_dimension_numbers<[1], [0], [0], [1], [0, 0, 1, 1], [], []>, transpose_lhs_hint = false} : vector<3136x128xf32>, vector<128x128xf32>, vector<3136x128xf32> -> vector<3136x128xf32>
    %add3A_217 = arith.addf %add3A_204, %dot_general3A_216 : vector<3136x128xf32>
    %get3A_218 = arith.constant 2 : index
    %get3A_219 = arith.constant 1 : index
    %get3A_220 = arith.constant 0 : index
    %get3A_221 = vector.load %arg1[%get3A_218, %get3A_219, %get3A_220] : memref<58x58x128xf32, #tpu.memory_space<vmem>>, vector<56x56x128xf32>
    %reshape3A_222 = vector.shape_cast %get3A_221 : vector<56x56x128xf32> to vector<3136x128xf32>
    %get3A_223 = arith.constant 14 : index
    %get3A_224 = arith.constant 0 : index
    %get3A_225 = arith.constant 0 : index
    %get3A_226 = vector.load %arg2[%get3A_223, %get3A_224, %get3A_225] : memref<16x128x128xf32, #tpu.memory_space<vmem>>, vector<1x128x128xf32>
    %get3A_227 = vector.shape_cast %get3A_226 : vector<1x128x128xf32> to vector<128x128xf32>
    %dot_general3A_228 = arith.constant dense<0.000000e+00> : vector<3136x128xf32>
    %dot_general3A_229 = tpu.matmul %reshape3A_222, %get3A_227, %dot_general3A_228 {dimension_numbers = #tpu.dot_dimension_numbers<[1], [0], [0], [1], [0, 0, 1, 1], [], []>, transpose_lhs_hint = false} : vector<3136x128xf32>, vector<128x128xf32>, vector<3136x128xf32> -> vector<3136x128xf32>
    %add3A_230 = arith.addf %add3A_217, %dot_general3A_229 : vector<3136x128xf32>
    %get3A_231 = arith.constant 2 : index
    %get3A_232 = arith.constant 2 : index
    %get3A_233 = arith.constant 0 : index
    %get3A_234 = vector.load %arg1[%get3A_231, %get3A_232, %get3A_233] : memref<58x58x128xf32, #tpu.memory_space<vmem>>, vector<56x56x128xf32>
    %reshape3A_235 = vector.shape_cast %get3A_234 : vector<56x56x128xf32> to vector<3136x128xf32>
    %get3A_236 = arith.constant 15 : index
    %get3A_237 = arith.constant 0 : index
    %get3A_238 = arith.constant 0 : index
    %get3A_239 = vector.load %arg2[%get3A_236, %get3A_237, %get3A_238] : memref<16x128x128xf32, #tpu.memory_space<vmem>>, vector<1x128x128xf32>
    %get3A_240 = vector.shape_cast %get3A_239 : vector<1x128x128xf32> to vector<128x128xf32>
    %dot_general3A_241 = arith.constant dense<0.000000e+00> : vector<3136x128xf32>
    %dot_general3A_242 = tpu.matmul %reshape3A_235, %get3A_240, %dot_general3A_241 {dimension_numbers = #tpu.dot_dimension_numbers<[1], [0], [0], [1], [0, 0, 1, 1], [], []>, transpose_lhs_hint = false} : vector<3136x128xf32>, vector<128x128xf32>, vector<3136x128xf32> -> vector<3136x128xf32>
    %add3A_243 = arith.addf %add3A_230, %dot_general3A_242 : vector<3136x128xf32>
    %swap3A_244 = arith.constant 3 : index
    %swap3A_245 = arith.constant 0 : index
    %swap3A_246 = arith.constant 0 : index
    %swap3A_247 = vector.load %arg4[%swap3A_244, %swap3A_245, %swap3A_246] : memref<4x3136x128xf32, #tpu.memory_space<vmem>>, vector<1x3136x128xf32>
    %swap3A_248 = vector.shape_cast %swap3A_247 : vector<1x3136x128xf32> to vector<3136x128xf32>
    %swap3A_249 = vector.shape_cast %add3A_243 : vector<3136x128xf32> to vector<1x3136x128xf32>
    tpu.vector_store %arg4[%swap3A_244, %swap3A_245, %swap3A_246], %swap3A_249 {strides = array<i32>} : memref<4x3136x128xf32, #tpu.memory_space<vmem>>, vector<1x3136x128xf32>,
    return
  }
  func.func @transform_0(%arg0: i32) -> (i32, i32, i32) {
    %c0_i32 = arith.constant 0 : i32
    %c0_i32_0 = arith.constant 0 : i32
    %c0_i32_1 = arith.constant 0 : i32
    %c0_i32_2 = arith.constant 0 : i32
    return %c0_i32, %c0_i32_0, %c0_i32_1 : i32, i32, i32
  }
  func.func @transform_1(%arg0: i32) -> (i32, i32, i32) {
    %c0_i32 = arith.constant 0 : i32
    %c0_i32_0 = arith.constant 0 : i32
    %c0_i32_1 = arith.constant 0 : i32
    %c0_i32_2 = arith.constant 0 : i32
    return %c0_i32, %c0_i32_0, %c0_i32_1 : i32, i32, i32
  }
  func.func @transform_2(%arg0: i32) -> (i32, i32) {
    %c0_i32 = arith.constant 0 : i32
    %c0_i32_0 = arith.constant 0 : i32
    %c0_i32_1 = arith.constant 0 : i32
    return %c0_i32, %c0_i32_0 : i32, i32
  }
  func.func @transform_3(%arg0: i32) -> (i32, i32, i32) {
    %c0_i32 = arith.constant 0 : i32
    %c0_i32_0 = arith.constant 0 : i32
    %c0_i32_1 = arith.constant 0 : i32
    %c0_i32_2 = arith.constant 0 : i32
    return %c0_i32, %c0_i32_0, %c0_i32_1 : i32, i32, i32
  }
}

module attributes {stable_mosaic.version = 14 : i64} {
  func.func @_mm_body(%arg0: i32, %arg1: i32, %arg2: memref<1x448x64xf32, #tpu.memory_space<vmem>>, %arg3: memref<1x64x192xf32, #tpu.memory_space<vmem>>, %arg4: memref<1x1x192xf32, #tpu.memory_space<vmem>>, %arg5: memref<1x448x192xf32, #tpu.memory_space<vmem>>) attributes {dimension_semantics = [#tpu.dimension_semantics<arbitrary>, #tpu.dimension_semantics<arbitrary>], iteration_bounds = array<i64: 2, 7>, scalar_prefetch = 0 : i64, scratch_operands = 0 : i64, tpu.core_type = #tpu.core_type<tc>, window_params = [{transform_indices = @transform_0, window_bounds = array<i64: 1, 448, 64>}, {transform_indices = @transform_1, window_bounds = array<i64: 1, 64, 192>}, {transform_indices = @transform_2, window_bounds = array<i64: 1, 1, 192>}, {transform_indices = @transform_3, window_bounds = array<i64: 1, 448, 192>}]} {
    %get3A = arith.constant 0 : index
    %get3A_0 = arith.constant 0 : index
    %get3A_1 = arith.constant 0 : index
    %get3A_2 = vector.load %arg2[%get3A, %get3A_0, %get3A_1] : memref<1x448x64xf32, #tpu.memory_space<vmem>>, vector<1x448x64xf32>
    %get3A_3 = vector.shape_cast %get3A_2 : vector<1x448x64xf32> to vector<448x64xf32>
    %get3A_4 = arith.constant 0 : index
    %get3A_5 = arith.constant 0 : index
    %get3A_6 = arith.constant 0 : index
    %get3A_7 = vector.load %arg3[%get3A_4, %get3A_5, %get3A_6] : memref<1x64x192xf32, #tpu.memory_space<vmem>>, vector<1x64x192xf32>
    %get3A_8 = vector.shape_cast %get3A_7 : vector<1x64x192xf32> to vector<64x192xf32>
    %dot_general3A = arith.constant dense<0.000000e+00> : vector<448x192xf32>
    %dot_general3A_9 = tpu.matmul %get3A_3, %get3A_8, %dot_general3A {dimension_numbers = #tpu.dot_dimension_numbers<[1], [0], [0], [1], [0, 0, 1, 1], [], []>, transpose_lhs_hint = false} : vector<448x64xf32>, vector<64x192xf32>, vector<448x192xf32> -> vector<448x192xf32>
    %get3A_10 = arith.constant 0 : index
    %get3A_11 = arith.constant 0 : index
    %get3A_12 = arith.constant 0 : index
    %get3A_13 = vector.load %arg4[%get3A_10, %get3A_11, %get3A_12] : memref<1x1x192xf32, #tpu.memory_space<vmem>>, vector<1x1x192xf32>
    %get3A_14 = vector.shape_cast %get3A_13 : vector<1x1x192xf32> to vector<1x192xf32>
    %add3A = vector.broadcast %get3A_14 : vector<1x192xf32> to vector<448x192xf32>
    %add3A_15 = arith.addf %dot_general3A_9, %add3A : vector<448x192xf32>
    %swap3A = arith.constant 0 : index
    %swap3A_16 = arith.constant 0 : index
    %swap3A_17 = arith.constant 0 : index
    %swap3A_18 = vector.load %arg5[%swap3A, %swap3A_16, %swap3A_17] : memref<1x448x192xf32, #tpu.memory_space<vmem>>, vector<1x448x192xf32>
    %swap3A_19 = vector.shape_cast %swap3A_18 : vector<1x448x192xf32> to vector<448x192xf32>
    %swap3A_20 = vector.shape_cast %add3A_15 : vector<448x192xf32> to vector<1x448x192xf32>
    tpu.vector_store %arg5[%swap3A, %swap3A_16, %swap3A_17], %swap3A_20 {strides = array<i32>} : memref<1x448x192xf32, #tpu.memory_space<vmem>>, vector<1x448x192xf32>,
    return
  }
  func.func @transform_0(%arg0: i32, %arg1: i32) -> (i32, i32, i32) {
    %c0_i32 = arith.constant 0 : i32
    %c0_i32_0 = arith.constant 0 : i32
    return %arg0, %arg1, %c0_i32 : i32, i32, i32
  }
  func.func @transform_1(%arg0: i32, %arg1: i32) -> (i32, i32, i32) {
    %c0_i32 = arith.constant 0 : i32
    %c0_i32_0 = arith.constant 0 : i32
    %c0_i32_1 = arith.constant 0 : i32
    return %arg0, %c0_i32, %c0_i32_0 : i32, i32, i32
  }
  func.func @transform_2(%arg0: i32, %arg1: i32) -> (i32, i32, i32) {
    %c0_i32 = arith.constant 0 : i32
    %c0_i32_0 = arith.constant 0 : i32
    %c0_i32_1 = arith.constant 0 : i32
    return %arg0, %c0_i32, %c0_i32_0 : i32, i32, i32
  }
  func.func @transform_3(%arg0: i32, %arg1: i32) -> (i32, i32, i32) {
    %c0_i32 = arith.constant 0 : i32
    %c0_i32_0 = arith.constant 0 : i32
    return %arg0, %arg1, %c0_i32 : i32, i32, i32
  }
}

module attributes {stable_mosaic.version = 14 : i64} {
  func.func @_attn_body(%arg0: i32, %arg1: i32, %arg2: memref<1x448x192xf32, #tpu.memory_space<vmem>>, %arg3: memref<1x3136x192xf32, #tpu.memory_space<vmem>>, %arg4: memref<1x448x64xf32, #tpu.memory_space<vmem>>, %arg5: memref<1x1x3136xf32, #tpu.memory_space<vmem>>) attributes {dimension_semantics = [#tpu.dimension_semantics<arbitrary>, #tpu.dimension_semantics<arbitrary>], iteration_bounds = array<i64: 2, 7>, scalar_prefetch = 0 : i64, scratch_operands = 0 : i64, tpu.core_type = #tpu.core_type<tc>, window_params = [{transform_indices = @transform_0, window_bounds = array<i64: 1, 448, 192>}, {transform_indices = @transform_1, window_bounds = array<i64: 1, 3136, 192>}, {transform_indices = @transform_2, window_bounds = array<i64: 1, 448, 64>}, {transform_indices = @transform_3, window_bounds = array<i64: 1, 1, 3136>}]} {
    %get3A = arith.constant 0 : index
    %get3A_0 = arith.constant 0 : index
    %get3A_1 = arith.constant 0 : index
    %get3A_2 = vector.load %arg2[%get3A, %get3A_0, %get3A_1] : memref<1x448x192xf32, #tpu.memory_space<vmem>>, vector<1x448x192xf32>
    %get3A_3 = vector.shape_cast %get3A_2 : vector<1x448x192xf32> to vector<448x192xf32>
    %slice3A = vector.extract_strided_slice %get3A_3 {offsets = [0, 0], sizes = [448, 64], strides = [1, 1]} : vector<448x192xf32> to vector<448x64xf32>
    %get3A_4 = arith.constant 0 : index
    %get3A_5 = arith.constant 0 : index
    %get3A_6 = arith.constant 0 : index
    %get3A_7 = vector.load %arg3[%get3A_4, %get3A_5, %get3A_6] : memref<1x3136x192xf32, #tpu.memory_space<vmem>>, vector<1x3136x192xf32>
    %get3A_8 = vector.shape_cast %get3A_7 : vector<1x3136x192xf32> to vector<3136x192xf32>
    %slice3A_9 = vector.extract_strided_slice %get3A_8 {offsets = [0, 64], sizes = [3136, 64], strides = [1, 1]} : vector<3136x192xf32> to vector<3136x64xf32>
    %get3A_10 = arith.constant 0 : index
    %get3A_11 = arith.constant 0 : index
    %get3A_12 = arith.constant 0 : index
    %get3A_13 = vector.load %arg3[%get3A_10, %get3A_11, %get3A_12] : memref<1x3136x192xf32, #tpu.memory_space<vmem>>, vector<1x3136x192xf32>
    %get3A_14 = vector.shape_cast %get3A_13 : vector<1x3136x192xf32> to vector<3136x192xf32>
    %slice3A_15 = vector.extract_strided_slice %get3A_14 {offsets = [0, 128], sizes = [3136, 64], strides = [1, 1]} : vector<3136x192xf32> to vector<3136x64xf32>
    %dot_general3A = arith.constant dense<0.000000e+00> : vector<448x3136xf32>
    %dot_general3A_16 = tpu.matmul %slice3A, %slice3A_9, %dot_general3A {dimension_numbers = #tpu.dot_dimension_numbers<[1], [1], [0], [0], [0, 0, 1, 0], [], []>, transpose_lhs_hint = false} : vector<448x64xf32>, vector<3136x64xf32>, vector<448x3136xf32> -> vector<448x3136xf32>
    %mul3A = arith.constant 1.250000e-01 : f32
    %mul3A_17 = vector.broadcast %mul3A : f32 to vector<448x3136xf32>
    %mul3A_18 = arith.mulf %dot_general3A_16, %mul3A_17 : vector<448x3136xf32>
    %reduce_max3A = arith.constant dense<0xFF800000> : vector<448xf32>
    %reduce_max3A_19 = vector.multi_reduction <maximumf>, %mul3A_18, %reduce_max3A [1] : vector<448x3136xf32> to vector<448xf32>
    %broadcast_in_dim3A = vector.shape_cast %reduce_max3A_19 : vector<448xf32> to vector<448x1xf32>
    %sub3A = vector.broadcast %broadcast_in_dim3A : vector<448x1xf32> to vector<448x3136xf32>
    %sub3A_20 = arith.subf %mul3A_18, %sub3A : vector<448x3136xf32>
    %exp3A = math.exp %sub3A_20 : vector<448x3136xf32>
    %reduce_sum3A = arith.constant dense<0.000000e+00> : vector<448xf32>
    %reduce_sum3A_21 = vector.multi_reduction <add>, %exp3A, %reduce_sum3A [1] : vector<448x3136xf32> to vector<448xf32>
    %broadcast_in_dim3A_22 = vector.shape_cast %reduce_sum3A_21 : vector<448xf32> to vector<448x1xf32>
    %div3A = vector.broadcast %broadcast_in_dim3A_22 : vector<448x1xf32> to vector<448x3136xf32>
    %div3A_23 = arith.divf %exp3A, %div3A : vector<448x3136xf32>
    %dot_general3A_24 = arith.constant dense<0.000000e+00> : vector<448x64xf32>
    %dot_general3A_25 = tpu.matmul %div3A_23, %slice3A_15, %dot_general3A_24 {dimension_numbers = #tpu.dot_dimension_numbers<[1], [0], [0], [1], [0, 0, 1, 1], [], []>, transpose_lhs_hint = false} : vector<448x3136xf32>, vector<3136x64xf32>, vector<448x64xf32> -> vector<448x64xf32>
    %swap3A = arith.constant 0 : index
    %swap3A_26 = arith.constant 0 : index
    %swap3A_27 = arith.constant 0 : index
    %swap3A_28 = vector.load %arg4[%swap3A, %swap3A_26, %swap3A_27] : memref<1x448x64xf32, #tpu.memory_space<vmem>>, vector<1x448x64xf32>
    %swap3A_29 = vector.shape_cast %swap3A_28 : vector<1x448x64xf32> to vector<448x64xf32>
    %swap3A_30 = vector.shape_cast %dot_general3A_25 : vector<448x64xf32> to vector<1x448x64xf32>
    tpu.vector_store %arg4[%swap3A, %swap3A_26, %swap3A_27], %swap3A_30 {strides = array<i32>} : memref<1x448x64xf32, #tpu.memory_space<vmem>>, vector<1x448x64xf32>,
    %reduce_sum3A_31 = arith.constant dense<0.000000e+00> : vector<3136xf32>
    %reduce_sum3A_32 = vector.multi_reduction <add>, %div3A_23, %reduce_sum3A_31 [0] : vector<448x3136xf32> to vector<3136xf32>
    %broadcast_in_dim3A_33 = vector.shape_cast %reduce_sum3A_32 : vector<3136xf32> to vector<1x3136xf32>
    %eq3A = arith.constant 0 : i32
    %eq3A_34 = arith.cmpi eq, %arg1, %eq3A : i32
    %convert_element_type3A = arith.extui %eq3A_34 : i1 to i32
    %cond3A = arith.constant 0 : i32
    %cond3A_35 = arith.cmpi ne, %convert_element_type3A, %cond3A : i32
    scf.if %cond3A_35 {
      %swap3A_40 = arith.constant 0 : index
      %swap3A_41 = arith.constant 0 : index
      %swap3A_42 = arith.constant 0 : index
      %swap3A_43 = vector.load %arg5[%swap3A_40, %swap3A_41, %swap3A_42] : memref<1x1x3136xf32, #tpu.memory_space<vmem>>, vector<1x1x3136xf32>
      %swap3A_44 = vector.shape_cast %swap3A_43 : vector<1x1x3136xf32> to vector<1x3136xf32>
      %swap3A_45 = vector.shape_cast %broadcast_in_dim3A_33 : vector<1x3136xf32> to vector<1x1x3136xf32>
      tpu.vector_store %arg5[%swap3A_40, %swap3A_41, %swap3A_42], %swap3A_45 {strides = array<i32>} : memref<1x1x3136xf32, #tpu.memory_space<vmem>>, vector<1x1x3136xf32>,
    } else {
    }
    %gt3A = arith.constant 0 : i32
    %gt3A_36 = arith.cmpi sgt, %arg1, %gt3A : i32
    %convert_element_type3A_37 = arith.extui %gt3A_36 : i1 to i32
    %cond3A_38 = arith.constant 0 : i32
    %cond3A_39 = arith.cmpi ne, %convert_element_type3A_37, %cond3A_38 : i32
    scf.if %cond3A_39 {
      %get3A_40 = arith.constant 0 : index
      %get3A_41 = arith.constant 0 : index
      %get3A_42 = arith.constant 0 : index
      %get3A_43 = vector.load %arg5[%get3A_40, %get3A_41, %get3A_42] : memref<1x1x3136xf32, #tpu.memory_space<vmem>>, vector<1x1x3136xf32>
      %get3A_44 = vector.shape_cast %get3A_43 : vector<1x1x3136xf32> to vector<1x3136xf32>
      %add3A = arith.addf %get3A_44, %broadcast_in_dim3A_33 : vector<1x3136xf32>
      %swap3A_45 = arith.constant 0 : index
      %swap3A_46 = arith.constant 0 : index
      %swap3A_47 = arith.constant 0 : index
      %swap3A_48 = vector.load %arg5[%swap3A_45, %swap3A_46, %swap3A_47] : memref<1x1x3136xf32, #tpu.memory_space<vmem>>, vector<1x1x3136xf32>
      %swap3A_49 = vector.shape_cast %swap3A_48 : vector<1x1x3136xf32> to vector<1x3136xf32>
      %swap3A_50 = vector.shape_cast %add3A : vector<1x3136xf32> to vector<1x1x3136xf32>
      tpu.vector_store %arg5[%swap3A_45, %swap3A_46, %swap3A_47], %swap3A_50 {strides = array<i32>} : memref<1x1x3136xf32, #tpu.memory_space<vmem>>, vector<1x1x3136xf32>,
    } else {
    }
    return
  }
  func.func @transform_0(%arg0: i32, %arg1: i32) -> (i32, i32, i32) {
    %c0_i32 = arith.constant 0 : i32
    %c0_i32_0 = arith.constant 0 : i32
    return %arg0, %arg1, %c0_i32 : i32, i32, i32
  }
  func.func @transform_1(%arg0: i32, %arg1: i32) -> (i32, i32, i32) {
    %c0_i32 = arith.constant 0 : i32
    %c0_i32_0 = arith.constant 0 : i32
    %c0_i32_1 = arith.constant 0 : i32
    return %arg0, %c0_i32, %c0_i32_0 : i32, i32, i32
  }
  func.func @transform_2(%arg0: i32, %arg1: i32) -> (i32, i32, i32) {
    %c0_i32 = arith.constant 0 : i32
    %c0_i32_0 = arith.constant 0 : i32
    return %arg0, %arg1, %c0_i32 : i32, i32, i32
  }
  func.func @transform_3(%arg0: i32, %arg1: i32) -> (i32, i32, i32) {
    %c0_i32 = arith.constant 0 : i32
    %c0_i32_0 = arith.constant 0 : i32
    %c0_i32_1 = arith.constant 0 : i32
    return %arg0, %c0_i32, %c0_i32_0 : i32, i32, i32
  }
}

module attributes {stable_mosaic.version = 14 : i64} {
  func.func @_scat_body(%arg0: i32, %arg1: i32, %arg2: memref<1x448x1xi32, #tpu.memory_space<vmem>>, %arg3: memref<1x784x256xf32, #tpu.memory_space<vmem>>, %arg4: memref<1x448x256xf32, #tpu.memory_space<vmem>>) attributes {dimension_semantics = [#tpu.dimension_semantics<arbitrary>, #tpu.dimension_semantics<arbitrary>], iteration_bounds = array<i64: 2, 7>, scalar_prefetch = 0 : i64, scratch_operands = 0 : i64, tpu.core_type = #tpu.core_type<tc>, window_params = [{transform_indices = @transform_0, window_bounds = array<i64: 1, 448, 1>}, {transform_indices = @transform_1, window_bounds = array<i64: 1, 784, 256>}, {transform_indices = @transform_2, window_bounds = array<i64: 1, 448, 256>}]} {
    %get3A = arith.constant 0 : index
    %get3A_0 = arith.constant 0 : index
    %get3A_1 = arith.constant 0 : index
    %get3A_2 = vector.load %arg2[%get3A, %get3A_0, %get3A_1] : memref<1x448x1xi32, #tpu.memory_space<vmem>>, vector<1x448x1xi32>
    %get3A_3 = vector.shape_cast %get3A_2 : vector<1x448x1xi32> to vector<448x1xi32>
    %iota3A = tpu.iota {dimensions = array<i32: 1>} : vector<448x784xi32>
    %eq3A = vector.broadcast %get3A_3 : vector<448x1xi32> to vector<448x784xi32>
    %eq3A_4 = arith.cmpi eq, %eq3A, %iota3A : vector<448x784xi32>
    %jit3A = arith.constant 1.000000e+00 : f32
    %jit3A_5 = arith.constant 0.000000e+00 : f32
    %broadcast_in_dim3A = vector.broadcast %jit3A : f32 to vector<448x784xf32>
    %broadcast_in_dim3A_6 = vector.broadcast %jit3A_5 : f32 to vector<448x784xf32>
    %select_n3A = arith.select %eq3A_4, %broadcast_in_dim3A, %broadcast_in_dim3A_6 : vector<448x784xi1>, vector<448x784xf32>
    %get3A_7 = arith.constant 0 : index
    %get3A_8 = arith.constant 0 : index
    %get3A_9 = arith.constant 0 : index
    %get3A_10 = vector.load %arg3[%get3A_7, %get3A_8, %get3A_9] : memref<1x784x256xf32, #tpu.memory_space<vmem>>, vector<1x784x256xf32>
    %get3A_11 = vector.shape_cast %get3A_10 : vector<1x784x256xf32> to vector<784x256xf32>
    %dot_general3A = arith.constant dense<0.000000e+00> : vector<448x256xf32>
    %dot_general3A_12 = tpu.matmul %select_n3A, %get3A_11, %dot_general3A {dimension_numbers = #tpu.dot_dimension_numbers<[1], [0], [0], [1], [0, 0, 1, 1], [], []>, transpose_lhs_hint = false} : vector<448x784xf32>, vector<784x256xf32>, vector<448x256xf32> -> vector<448x256xf32>
    %swap3A = arith.constant 0 : index
    %swap3A_13 = arith.constant 0 : index
    %swap3A_14 = arith.constant 0 : index
    %swap3A_15 = vector.load %arg4[%swap3A, %swap3A_13, %swap3A_14] : memref<1x448x256xf32, #tpu.memory_space<vmem>>, vector<1x448x256xf32>
    %swap3A_16 = vector.shape_cast %swap3A_15 : vector<1x448x256xf32> to vector<448x256xf32>
    %swap3A_17 = vector.shape_cast %dot_general3A_12 : vector<448x256xf32> to vector<1x448x256xf32>
    tpu.vector_store %arg4[%swap3A, %swap3A_13, %swap3A_14], %swap3A_17 {strides = array<i32>} : memref<1x448x256xf32, #tpu.memory_space<vmem>>, vector<1x448x256xf32>,
    return
  }
  func.func @transform_0(%arg0: i32, %arg1: i32) -> (i32, i32, i32) {
    %c0_i32 = arith.constant 0 : i32
    %c0_i32_0 = arith.constant 0 : i32
    return %arg0, %arg1, %c0_i32 : i32, i32, i32
  }
  func.func @transform_1(%arg0: i32, %arg1: i32) -> (i32, i32, i32) {
    %c0_i32 = arith.constant 0 : i32
    %c0_i32_0 = arith.constant 0 : i32
    %c0_i32_1 = arith.constant 0 : i32
    return %arg0, %c0_i32, %c0_i32_0 : i32, i32, i32
  }
  func.func @transform_2(%arg0: i32, %arg1: i32) -> (i32, i32, i32) {
    %c0_i32 = arith.constant 0 : i32
    %c0_i32_0 = arith.constant 0 : i32
    return %arg0, %arg1, %c0_i32 : i32, i32, i32
  }
}

</mosaic_0001>

<sc_bundles>
// kernel: kernel.11.cloned.1.call-start
scs
__scs_entry_jumppad:
0x0: {  	(pc) =	sbr.rel $0x88, $3  }
0x1: {  	(tag) =	ssettag $0x0;
	lr =	simm.s32 $0x1  }
0x2: {  	[smem:$0x3F96] =	sst lr;
	_ =	strace $0xD0000000  }
0x3: {  	_ = 	snop  }
0x4: {  	_ = 	snop  }
0x5: {  	_ = 	snop  }
0x6: {  	_ = 	snop  }
0x7: {  	_ = 	snop  }
__scs_overlays_trampoline_lowered:
0x8: {  	[smem:$0x3FA5] =	sst s0  }
0x9: {  	[smem:$0x3FA6] =	sst s1  }
0xa: {  	[smem:$0x3FA7] =	sst s2  }
0xb: {  	[smem:$0x3FA8] =	sst s3  }
0xc: {  	[smem:$0x3FA9] =	sst s4  }
0xd: {  	[smem:$0x3FAA] =	sst s5  }
0xe: {  	[smem:$0x3FAB] =	sst s6  }
0xf: {  	[smem:$0x3FAC] =	sst s7  }
0x10: {  	[smem:$0x3FAD] =	sst s8  }
0x11: {  	[smem:$0x3FAE] =	sst s9;
	s0 =	simm.s32 @!p0 $0x0  }
0x12: {  	s1 =	sld [smem:$0x3F94];
	s0 =	simm.s32 @p0 $0x1  }
0x13: {  	[smem:$0x3FAF] =	sst s0;
	s0 =	simm.s32 @!p1 $0x0  }
0x14: {  	s2 =	sld [smem:$0x3F93];
	s0 =	simm.s32 @p1 $0x1  }
0x15: {  	[smem:$0x3FB0] =	sst s0;
	s0 =	simm.s32 @!p2 $0x0  }
0x16: {  	s3 =	sld [smem:$0x3FDB];
	s0 =	simm.s32 @p2 $0x1  }
0x17: {  	s4 =	simm.s32 $0x1BF5;
	[smem:$0x3FB2] =	sst s0  }
0x18: {  	s0 =	sld [smem:$0x3F95];
	_ =	swait.ge [sflag:s4], $0x0  }
0x19: {  	s7 =	sld [smem:$0x3F96]  }
0x1a: {  	s8 =	sadd.s32 $0xFFFFE003, lr  }
0x1b: {  	s9 =	sadd.s32 $0xFFFFFEF7, lr;
	s5 =	simm.s32 $0xFFFFFFFF;
	p2 =	slt.u32 s8, $0xFFFFF086  }
0x1c: {  	p1 =	slt.u32 s9, $0xF7A;
	s5 =	simm.s32 @!p2 $0x0  }
0x1d: {  	s5 =	simm.s32 @p1 $0x1;
	p0 =	seq.s32 s7, s2  }
0x1e: {  	s7 =	smul.u32 @!p0 $0xF7A, s2;
	p2 =	seq.s32 @!p0 s5, $0x0  }
0x1f: {  	s9 =	smul.u32 $0xF7A, s1;
	s8 =	simm.s32 @!p0 $0x1BF5;
	p2 =	por !p2, p0  }
0x20: {  	[sflag:s8] =	ssyncset.s32 @!p0 $0xFFFFF086;
	s6 =	sadd.s32 @!p0 s3, s7;
	s7 =	simm.s32 @!p0 $0x108  }
0x21: {  	s3 =	sadd.s32 s3, s9;
	s6 =	sadd.s32 @!p0 $0x88, s6;
	s7 =	simm.s32 @p2 $0x1082  }
0x22: {  	[simem:s7], [sflag:s8] =	dma.local @!p0 [hbm:s6], $0xF7A  }
0x23: {  	s9 =	sor.u32 $0xD0000000, s2;
	s6 =	simm.s32 $0x108;
	_ =	swait.ge @!p0 [sflag:s8], $0x0  }
0x24: {  	s3 =	sadd.s32 $0x88, s3;
	s6 =	simm.s32 @!p1 $0x1082;
	[sflag:s4] =	ssyncset.s32 $0xFFFFF086  }
0x25: {  	[simem:s6], [sflag:s4] =	dma.local [hbm:s3], $0xF7A  }
0x26: {  	[smem:$0x3F96] =	sst s1;
	(tag) =	ssettag s2;
	_ =	strace s9  }
0x27: {  	s1 =	sld [smem:$0x3FA6]  }
0x28: {  	s2 =	sld [smem:$0x3FA7]  }
0x29: {  	s4 =	sld [smem:$0x3FA9]  }
0x2a: {  	p0 =	seq.s32 s5, $0x0;
	s5 =	sld [smem:$0x3FAA]  }
0x2b: {  	s6 =	sld [smem:$0x3FAB]  }
0x2c: {  	s7 =	sld [smem:$0x3FAC]  }
0x2d: {  	s3 =	simm.s32 $0x108;
	s8 =	sld [smem:$0x3FAD]  }
0x2e: {  	s3 =	simm.s32 @!p0 $0x1082;
	s9 =	sld [smem:$0x3FAE]  }
0x2f: {  	lr =	sadd.s32 s0, s3;
	s0 =	sld [smem:$0x3FA5]  }
0x30: {  	s3 =	sld [smem:$0x3FA8]  }
0x31: {  	[smem:$0x3FB1] =	sst s10  }
0x32: {  	s10 =	sld [smem:$0x3FAF];
	_ =	sdelay $0x3  }
0x33: {  	p0 =	seq.s32 s10, $0x1;
	s10 =	sld [smem:$0x3FB1];
	_ =	sdelay $0x3  }
0x34: {  	[smem:$0x3FB1] =	sst s10  }
0x35: {  	s10 =	sld [smem:$0x3FB0];
	_ =	sdelay $0x3  }
0x36: {  	p1 =	seq.s32 s10, $0x1;
	s10 =	sld [smem:$0x3FB1];
	_ =	sdelay $0x3  }
0x37: {  	[smem:$0x3FB1] =	sst s10  }
0x38: {  	s10 =	sld [smem:$0x3FB2]  }
0x39: {  	_ = 	snop;
	(pc) =	sbr.ind lr, $3  }
0x3a: {  	_ = 	snop  }
0x3b: {  	_ = 	snop  }
0x3c: {  	p2 =	seq.s32 s10, $0x1;
	s10 =	sld [smem:$0x3FB1]  }
0x3d: {  	_ =	shalt  }
0x3e: {  	_ =	shalt  }
0x3f: {  	_ =	shalt  }
0x40: {  	_ =	shalt  }
0x41: {  	_ =	shalt  }
0x42: {  	_ =	shalt  }
0x43: {  	_ =	shalt  }
0x44: {  	_ =	shalt  }
0x45: {  	_ =	shalt  }
0x46: {  	_ =	shalt  }
0x47: {  	_ =	shalt  }
0x48: {  	_ =	shalt  }
0x49: {  	_ =	shalt  }
0x4a: {  	_ =	shalt  }
0x4b: {  	_ =	shalt  }
0x4c: {  	_ =	shalt  }
0x4d: {  	_ =	shalt  }
0x4e: {  	_ =	shalt  }
0x4f: {  	_ =	shalt  }
0x50: {  	_ =	shalt  }
0x51: {  	_ =	shalt  }
0x52: {  	_ =	shalt  }
0x53: {  	_ =	shalt  }
0x54: {  	_ =	shalt  }
0x55: {  	_ =	shalt  }
0x56: {  	_ =	shalt  }
0x57: {  	_ =	shalt  }
0x58: {  	_ =	shalt  }
0x59: {  	_ =	shalt  }
0x5a: {  	_ =	shalt  }
0x5b: {  	_ =	shalt  }
0x5c: {  	_ =	shalt  }
0x5d: {  	_ =	shalt  }
0x5e: {  	_ =	shalt  }
0x5f: {  	_ =	shalt  }
0x60: {  	_ =	shalt  }
0x61: {  	_ =	shalt  }
0x62: {  	_ =	shalt  }
0x63: {  	_ =	shalt  }
0x64: {  	_ =	shalt  }
0x65: {  	_ =	shalt  }
0x66: {  	_ =	shalt  }
0x67: {  	_ =	shalt  }
0x68: {  	_ =	shalt  }
0x69: {  	_ =	shalt  }
0x6a: {  	_ =	shalt  }
0x6b: {  	_ =	shalt  }
0x6c: {  	_ =	shalt  }
0x6d: {  	_ =	shalt  }
0x6e: {  	_ =	shalt  }
0x6f: {  	_ =	shalt  }
0x70: {  	_ =	shalt  }
0x71: {  	_ =	shalt  }
0x72: {  	_ =	shalt  }
0x73: {  	_ =	shalt  }
0x74: {  	_ =	shalt  }
0x75: {  	_ =	shalt  }
0x76: {  	_ =	shalt  }
0x77: {  	_ =	shalt  }
0x78: {  	_ =	shalt  }
0x79: {  	_ =	shalt  }
0x7a: {  	_ =	shalt  }
0x7b: {  	_ =	shalt  }
0x7c: {  	_ =	shalt  }
0x7d: {  	_ =	shalt  }
0x7e: {  	_ =	shalt  }
0x7f: {  	_ =	shalt  }
0x80: {  	_ =	shalt  }
0x81: {  	_ =	shalt  }
0x82: {  	_ =	shalt  }
0x83: {  	_ =	shalt  }
0x84: {  	_ =	shalt  }
0x85: {  	_ =	shalt  }
0x86: {  	_ =	shalt  }
0x87: {  	_ =	shalt  }
.Lfunc_end0:
.L_simem_size_0:
called_computation_lowered:
.L_overlay_start_0:
0x88: {  	s2 =	sld [smem:$0x3FD9]  }
0x89: {  	s3 =	sld [smem:$0x3FFE];
	_ =	sdelay $0x1  }
0x8a: {  	s1 =	srdreg.scid  }
0x8b: {  	s0 =	sand.u32 $0x1, s1  }
0x8c: {  	s17 =	sshll.u32 s0, $0xA;
	s2 =	sadd.s32 s3, s2  }
0x8d: {  	s2 =	sadd.s32 s2, s17  }
0x8e: {  	[smem:$0x3FBD] =	sst s2  }
0x8f: {  	_ = 	snop  }
0x90: {  	s2 =	sld [smem:$0x3FD0];
	(tm) =	ssettm $0x1  }
0x91: {  	s18 =	sld [smem:$0x3FFB];
	_ =	sdelay $0x3  }
0x92: {  	_ =	strace s18  }
0x93: {  	s3 =	sld [smem:$0x3FFC];
	_ =	sdelay $0x3  }
0x94: {  	_ =	strace s3  }
0x95: {  	s3 =	sld [smem:$0x3FFD];
	_ =	sdelay $0x3  }
0x96: {  	_ =	strace s3  }
0x97: {  	_ =	strace $0x8FFFFFFF  }
0x98: {  	s19 =	sld [smem:$0x3FDB];
	_ =	sdelay $0x1  }
0x99: {  	s4 =	simm.s32 $_scs_section_size  }
0x9a: {  	s5 =	simm.s32 $_size__tile_overlayer_lowered;
	s6 =	simm.s32 $_tile_overlayer_lowered  }
0x9b: {  	s22 =	simm.s32 $0x1BFF;
	s21 =	sshll.u32 s6, $0x1;
	s3 =	sadd.s32 s4, s19  }
0x9c: {  	s7 =	simm.s32 $0x0;
	s20 =	sshll.u32 s5, $0x1;
	s5 =	sadd.s32 s21, s3  }
0x9d: {  	[timem:s7], [sflag:s22] =	dma.local [hbm:s5], s20  }
0x9e: {  	_ =	swait.ge [sflag:s22], s20  }
0x9f: {  	s4 =	ssub.s32 $0x0, s20;
	[sflag:s22] =	ssyncset.done $0x0  }
0xa0: {  	[sflag:s22] =	ssyncadd.s32 s4;
	_ =	sdelay $0x1  }
0xa1: {  	s23 =	simm.s32 $0x1B8B  }
0xa2: {  	_ =	swait.ge [sflag:s23], $0x1  }
0xa3: {  	[sflag:s23] =	ssyncset.done $0x0  }
0xa4: {  	s25 =	simm.s32 $0x1B8E;
	s24 =	sld [smem:$0x3FFE];
	[sflag:s23] =	ssyncadd.s32 $0xFFFFFFFF  }
0xa5: {  	s26 =	simm.s32 $execute0_lowered;
	[smem:$0x3FD2] =	sst s25  }
0xa6: {  	s5 =	sshll.u32 s26, $0x1;
	_ =	strace $0x80000046;
	[dreg:$0x1] =	wrdreg $0xFFFFFFFF  }
0xa7: {  	s28 =	simm.s32 $_size_execute0_lowered;
	s3 =	sadd.s32 s3, s5;
	[dreg:$0x0] =	wrdreg $0x0  }
0xa8: {  	s5 =	sshll.u32 s28, $0x1;
	[dreg:$0x2] =	wrdreg s3  }
0xa9: {  	[dreg:$0x3] =	wrdreg s5  }
0xaa: {  	[dreg:$0x4] =	wrdreg $0xC0  }
0xab: {  	_ =	task [dreg:s7], $0x5FFFF  }
0xac: {  	[dreg:$0x1] =	wrdreg $0xFFFFFFFF  }
0xad: {  	[dreg:$0x0] =	wrdreg $0x60  }
0xae: {  	[dreg:$0x2] =	wrdreg s2  }
0xaf: {  	[dreg:$0x3] =	wrdreg s24  }
0xb0: {  	[dreg:$0x4] =	wrdreg $0x9  }
0xb1: {  	_ =	task.clear_ibuf [dreg:s7], $0x5FFFF;
	_ =	strace $0x90000046  }
0xb2: {  	s29 =	simm.s32 $0x9;
	_ =	strace $0x80000048  }
0xb3: {  	_ =	swait.ge [sflag:s29], $0x1  }
0xb4: {  	[sflag:s29] =	ssyncadd.s32 $0xFFFFFFFF  }
0xb5: {  	_ =	strace $0x90000048  }
0xb6: {  	_ =	sfence  }
0xb7: {  	s30 =	sld [smem:$0x0];
	_ =	sdelay $0x2  }
0xb8: {  	s31 =	sshll.u32 s1, $0xD;
	s1 =	sshrl.u32 s1, $0x2  }
0xb9: {  	s3 =	sand.u32 $0x4000, s31;
	s1 =	sadd.s32 s1, s30  }
0xba: {  	s0 =	sor.u32 s3, s0;
	s1 =	sshll.u32 s1, $0x11  }
0xbb: {  	s0 =	sor.u32 s1, s0  }
0xbc: {  	s0 =	sadd.s32 $0x8F2B, s0  }
0xbd: {  	[sflag:s0] =	ssyncadd.remote.s32 $0x1  }
0xbe: {  	_ =	sfence.sel $0xFFFF  }
0xbf: {  	[dreg:$0x0] =	wrdreg $0xFFFFFFFF;
	(pc) =	sbr.abs _section_cstart, $3  }
0xc0: {  	[dreg:$0x1] =	wrdreg $0xFFFFFFFF  }
0xc1: {  	_ =	task.clear_ibuf [dreg:s7], $0x2FFFF;
	_ =	strace $0x9FFFFFFF  }
0xc2: {  	(tm) =	ssettm $0x7FFFFFFF  }
0xc3: {  	_ =	shalt  }
tec
execute0_lowered:
.L_overlay_start_1:
0x0: {  	(tag) =	ssettag $0x1  }
0x1: {  	s1 =	srdreg.scid;
	s0 =	stileid.u32  }
0x2: {  	s5 =	sand.u32 $0x1, s1;
	s6 =	sshll.u32 s0, $0x1  }
0x3: {  	s6 =	sor.u32 s5, s6  }
0x4: {  	p0 =	sgt.u32 s6, $0x18  }
.Ltmp0:
0x5: {  	_ = 	snop;
	(pc) =	sbr.rel @p0 .LBB2_3-.Ltmp0, $4  }
0x6: {  	s2 =	rddreg [dreg:$0x0]  }
0x7: {  	s4 =	rddreg [dreg:$0x1];
	s3 =	simm.s32 $0x0  }
0x8: {  	[smem:$0x7FF] =	sst s3  }
0x9: {  	s1 =	rddreg [dreg:$0x2];
	_ =	strace $0x80000047  }
0xa: {  	s7 =	sadd.s32 $0x34000, s4;
	s8 =	sshll.u32 s6, $0xB;
	s5 =	ssub.s32 $0x2, s5  }
0xb: {  	s31 =	sshll.u32 s6, $0x3;
	s9 =	simm.s32 $0x880;
	s10 =	simm.s32 $0x1080  }
0xc: {  	s11 =	simm.s32 $0x1880;
	s12 =	simm.s32 $0x2080;
	s13 =	simm.s32 $0x2880  }
0xd: {  	s14 =	simm.s32 $0x3080;
	s15 =	simm.s32 $0x3880;
	s16 =	simm.s32 $0x2  }
0xe: {  	v2 =	vlaneseq.u32;
	s17 =	simm.s32 $0x3;
	s29 =	sadd.s32 s8, s4;
	s30 =	sshrl.u32 s5, $0x1  }
0xf: {  	vm0 =	vmmov $0xffff;
	v1 =	vshrl.u32 v2, $0x3;
	s4 =	sadd.s32 $0x34200, s29;
	s8 =	ssub.s32 s5, s30;
	s5 =	sadd.s32 s7, s31  }
0x10: {  	v0 =	vand.u32 $0x7, v2;
	v2 =	vor.u32 $0x8, v2;
	s7 =	simm.s32 $0x1;
	v1 =	vmul.u32 $0x8, v1;
	s6 =	smax.u32 s8, $0x1;
	s8 =	simm.s32 $0x80  }
.LBB2_2:
0x11: {  	[tilespmem:s3], [sflag:$0x1] =	stream.linear.gather [hbm4b:s5+s3], $0x40, $0x38;
	[tilespmem:$0x4080] =	vst v63  }
0x12: {  	_ =	swait.ge [sflag:s7], $0x40  }
0x13: {  	[sflag:s7] =	ssyncset.done $0x0  }
0x14: {  	[sflag:s7] =	ssyncadd.s32 $0xFFFFFFC0  }
0x15: {  	v3 =	vld [tilespmem:$0x0];
	_ =	sdelay $0x4  }
0x16: {  	v4 =	vshll.u32 v3, $0x1  }
0x17: {  	v3 =	vand.u32 $0x7, v3;
	v4 =	vand.u32 $0xFFFFFFF0, v4  }
0x18: {  	v3 =	vor.u32 v3, v4  }
0x19: {  	v4 =	vperm.xlane v3, v0;
	_ =	sdelay $0x1  }
0x1a: {  	v3 =	vperm.xlane v3, v2;
	v4 =	vadd.s32 v1, v4;
	_ =	sdelay $0x1  }
0x1b: {  	v3 =	vadd.s32 v1, v3;
	_ =	sdelay $0x2  }
0x1c: {  	[tilespmem:s8], [sflag:$0x2] =	stream.indirect_vreg.gather [hbm4b:s2+s3], $0x80, v4, vm0, $0xb8;
	[tilespmem:$0x4080] =	vst v63  }
0x1d: {  	_ = 	snop  }
0x1e: {  	[tilespmem:s9], [sflag:$0x2] =	stream.indirect_vreg.gather [hbm4b:s2+s3], $0x80, v3, vm0, $0xb8;
	[tilespmem:$0x4080] =	vst v63  }
0x1f: {  	v3 =	vld [tilespmem:$0x10];
	_ =	sdelay $0x4  }
0x20: {  	v61 =	vshll.u32 v3, $0x1  }
0x21: {  	v3 =	vand.u32 $0x7, v3;
	v4 =	vand.u32 $0xFFFFFFF0, v61  }
0x22: {  	v3 =	vor.u32 v3, v4  }
0x23: {  	v4 =	vperm.xlane v3, v0;
	_ =	sdelay $0x1  }
0x24: {  	v3 =	vperm.xlane v3, v2;
	v4 =	vadd.s32 v1, v4;
	_ =	sdelay $0x1  }
0x25: {  	v3 =	vadd.s32 v1, v3;
	_ =	sdelay $0x2  }
0x26: {  	[tilespmem:s10], [sflag:$0x2] =	stream.indirect_vreg.gather [hbm4b:s2+s3], $0x80, v4, vm0, $0xb8;
	[tilespmem:$0x4080] =	vst v63  }
0x27: {  	_ = 	snop  }
0x28: {  	[tilespmem:s11], [sflag:$0x2] =	stream.indirect_vreg.gather [hbm4b:s2+s3], $0x80, v3, vm0, $0xb8;
	[tilespmem:$0x4080] =	vst v63  }
0x29: {  	v3 =	vld [tilespmem:$0x20];
	_ =	sdelay $0x4  }
0x2a: {  	v62 =	vshll.u32 v3, $0x1  }
0x2b: {  	v3 =	vand.u32 $0x7, v3;
	v4 =	vand.u32 $0xFFFFFFF0, v62  }
0x2c: {  	v3 =	vor.u32 v3, v4  }
0x2d: {  	v4 =	vperm.xlane v3, v0;
	_ =	sdelay $0x1  }
0x2e: {  	v3 =	vperm.xlane v3, v2;
	v4 =	vadd.s32 v1, v4;
	_ =	sdelay $0x1  }
0x2f: {  	v3 =	vadd.s32 v1, v3;
	_ =	sdelay $0x2  }
0x30: {  	[tilespmem:s12], [sflag:$0x2] =	stream.indirect_vreg.gather [hbm4b:s2+s3], $0x80, v4, vm0, $0xb8;
	[tilespmem:$0x4080] =	vst v63  }
0x31: {  	_ = 	snop  }
0x32: {  	[tilespmem:s13], [sflag:$0x2] =	stream.indirect_vreg.gather [hbm4b:s2+s3], $0x80, v3, vm0, $0xb8;
	[tilespmem:$0x4080] =	vst v63  }
0x33: {  	v3 =	vld [tilespmem:$0x30];
	_ =	sdelay $0x4  }
0x34: {  	v63 =	vshll.u32 v3, $0x1  }
0x35: {  	v3 =	vand.u32 $0x7, v3;
	v4 =	vand.u32 $0xFFFFFFF0, v63  }
0x36: {  	v3 =	vor.u32 v3, v4  }
0x37: {  	v4 =	vperm.xlane v3, v0;
	_ =	sdelay $0x1  }
0x38: {  	v3 =	vperm.xlane v3, v2;
	v4 =	vadd.s32 v1, v4;
	_ =	sdelay $0x1  }
0x39: {  	v3 =	vadd.s32 v1, v3;
	_ =	sdelay $0x2  }
0x3a: {  	[tilespmem:s14], [sflag:$0x2] =	stream.indirect_vreg.gather [hbm4b:s2+s3], $0x80, v4, vm0, $0xb8;
	[tilespmem:$0x4080] =	vst v63  }
0x3b: {  	_ = 	snop  }
0x3c: {  	[tilespmem:s15], [sflag:$0x2] =	stream.indirect_vreg.gather [hbm4b:s2+s3], $0x80, v3, vm0, $0xb8;
	[tilespmem:$0x4080] =	vst v63  }
0x3d: {  	_ =	swait.ge [sflag:s16], $0x4000  }
0x3e: {  	p0 =	sne.s32 s6, $0x1;
	[sflag:s16] =	ssyncset.done $0x0  }
.Ltmp1:
0x3f: {  	[sflag:s16] =	ssyncadd.s32 $0xFFFFC000;
	(pc) =	sbr.rel @p0 .LBB2_2-.Ltmp1, $4  }
0x40: {  	[hbm4b:s4+s3] =	stream.linear.scatter [tilespmem:s8], [sflag:$0x3], $0x4000, $0x38;
	[tilespmem:$0x4080] =	vst v63  }
0x41: {  	_ =	swait.ge [sflag:s17], $0x4000  }
0x42: {  	[sflag:s17] =	ssyncset.done $0x0  }
0x43: {  	s6 =	sadd.s32 $0xFFFFFFFF, s6;
	[sflag:s17] =	ssyncadd.s32 $0xFFFFC000  }
.LBB2_3:
0x44: {  	_ =	sfence.sel $0x180000  }
0x45: {  	[bflag:$0x0] =	sbarrier.arrive $0xFFFF  }
0x46: {  	p0 =	sne.s32 s0, $0x0;
	_ =	strace $0x90000047  }
0x47: {  	s0 =	sadd.s32 @!p0 $0x100000, s1;
	[bflag:$0x2] =	sbarrier.arrive $0xFFFF  }
0x48: {  	[sflag:s0] =	ssyncadd.tile.s32 @!p0 $0x1;
	_ =	shalt  }
.Lfunc_end2:
_tile_overlayer_lowered:
.L_overlay_start_2:
0x49: {  	(tag) =	ssettag $0x2  }
0x4a: {  	s0 =	rddreg [dreg:$0x0];
	s2 =	stileid.u32  }
0x4b: {  	s1 =	rddreg [dreg:$0x1];
	p0 =	sne.s32 s2, $0x0  }
0x4c: {  	s3 =	rddreg [dreg:$0x2];
	[bflag:$0x3] =	sbarrier.arrive $0xFFFF;
	s2 =	simm.s32 @!p0 $0x1C04  }
0x4d: {  	[timem:s3], [sflag:s2] =	dma.local @!p0 [hbm:s0], s1  }
0x4e: {  	s0 =	simm.s32 @!p0 $0x4  }
0x4f: {  	_ =	swait.ge @!p0 [sflag:s0], s1  }
0x50: {  	s1 =	ssub.s32 @!p0 $0x0, s1;
	[sflag:s0] =	ssyncset.done @!p0 $0x0  }
0x51: {  	[sflag:s0] =	ssyncadd.s32 @!p0 s1  }
0x52: {  	[bflag:$0x3] =	sbarrier.arrive $0xFFFF  }
0x53: {  	_ =	shalt  }

</sc_bundles>
